<compile_context>
chip_gen: v7x
topology: tpu7x:2x2x1
jax: 0.10.2.dev20260603
libtpu: 0.0.44.dev20260713+nightly
codegen_flags: <defaults>
</compile_context>

<pallas_src>
import functools

import jax
import jax.numpy as jnp
from jax import lax
from jax.experimental import pallas as pl
from jax.experimental.pallas import tpu as pltpu
from jax.experimental.pallas import tpu_sc as plsc

EMA = 0.7
LAM = 3.0
CLIP_LO = 0.0001
CLIP_HI = 1.0 - 0.0001

NC = 2
NS = 16
NW = NC * NS
L = 16
CH = 128
BS = 4096


def _wid():
    return lax.axis_index("s") * NC + lax.axis_index("c")


def _sc_a_body(B, C, vsp, idx_hbm, lab_hbm, outflat_hbm, q_hbm,
               t_hbm, qrows_hbm, pick_hbm,
               idx_all, t_loc, rows_v, lab_v, fidx_v, pick_v, acc_v,
               sem, sem2, sem3):
    wid = _wid()
    rpw = B // NW
    nk = rpw // CH
    lo = wid * vsp
    base = wid * rpw

    pltpu.sync_copy(idx_hbm, idx_all)
    pltpu.sync_copy(lab_hbm.at[pl.ds(base, rpw)], lab_v)

    qc = [pltpu.async_copy(
        q_hbm.at[idx_all.at[pl.ds(base + k * CH, CH)]],
        rows_v.at[pl.ds(k * CH, CH)], sem) for k in range(nk)]

    iota = lax.iota(jnp.int32, L)
    for k in range(rpw // L):
        row = (base + k * L) + iota
        fidx_v[pl.ds(k * L, L)] = row * C + lab_v[pl.ds(k * L, L)]
    pc = [pltpu.async_copy(
        outflat_hbm.at[fidx_v.at[pl.ds(k * CH, CH)]],
        pick_v.at[pl.ds(k * CH, CH)], sem3) for k in range(nk)]

    def step(k, carry):
        for u in range(8):
            kk = k * 8 + u
            iv = idx_all[pl.ds(kk * L, L)]
            jv = kk * L + iota
            owned = (iv >= lo) & (iv < lo + vsp)
            plsc.store_scatter(t_loc, [iv - lo], jv, mask=owned)
        return carry
    lax.fori_loop(0, B // L // 8, step, 0)
    pltpu.sync_copy(t_loc, t_hbm.at[pl.ds(lo, vsp)])

    for cp in qc:
        cp.wait()
    pltpu.sync_copy(rows_v, qrows_hbm.at[pl.ds(base, rpw)])

    for cp in pc:
        cp.wait()
    acc = pick_v[pl.ds(0, L)]
    for k in range(1, rpw // L):
        acc = acc + pick_v[pl.ds(k * L, L)]
    acc_v[...] = acc
    pltpu.sync_copy(acc_v, pick_hbm.at[wid])


def _sc_a(index, label, outflat, Q, vsp):
    B = index.shape[0]
    N, C = Q.shape
    rpw = B // NW
    mesh = plsc.VectorSubcoreMesh(core_axis_name="c", subcore_axis_name="s",
                                  num_cores=NC, num_subcores=NS)
    return pl.kernel(
        functools.partial(_sc_a_body, B, C, vsp),
        out_type=[
            jax.ShapeDtypeStruct((NW * vsp,), jnp.int32),
            jax.ShapeDtypeStruct((B, C), jnp.float32),
            jax.ShapeDtypeStruct((NW, L), jnp.float32),
        ],
        mesh=mesh,
        compiler_params=pltpu.CompilerParams(needs_layout_passes=False),
        scratch_types=[
            pltpu.VMEM((B,), jnp.int32),
            pltpu.VMEM((vsp,), jnp.int32),
            pltpu.VMEM((rpw, C), jnp.float32),
            pltpu.VMEM((rpw,), jnp.int32),
            pltpu.VMEM((rpw,), jnp.int32),
            pltpu.VMEM((rpw,), jnp.float32),
            pltpu.VMEM((L,), jnp.float32),
            pltpu.SemaphoreType.DMA,
            pltpu.SemaphoreType.DMA,
            pltpu.SemaphoreType.DMA,
        ],
    )(index, label, outflat, Q)


def _sc_b_body(B, idx3_hbm, t_hbm, src_hbm, outg_hbm, idx_v, jl_v, rows_v,
               semr, s0, s1, s2, s3):
    wid = _wid()
    rpw = B // NW
    nk = rpw // CH
    sems = [s0, s1, s2, s3]

    pltpu.sync_copy(idx3_hbm.at[wid], idx_v)
    jc = [pltpu.async_copy(t_hbm.at[idx_v.at[k]], jl_v.at[k], sems[k])
          for k in range(nk)]
    dc = []
    for k in range(nk):
        jc[k].wait()
        dc.append(pltpu.async_copy(src_hbm.at[jl_v.at[k]],
                                   rows_v.at[pl.ds(k * CH, CH)], semr))
    for cp in dc:
        cp.wait()
    pltpu.sync_copy(rows_v, outg_hbm.at[pl.ds(wid * rpw, rpw)])


def _sc_b(index3, t, src):
    B, C = src.shape
    rpw = B // NW
    mesh = plsc.VectorSubcoreMesh(core_axis_name="c", subcore_axis_name="s",
                                  num_cores=NC, num_subcores=NS)
    return pl.kernel(
        functools.partial(_sc_b_body, B),
        out_type=jax.ShapeDtypeStruct((B, C), jnp.float32),
        mesh=mesh,
        scratch_types=[
            pltpu.VMEM((rpw // CH, CH), jnp.int32),
            pltpu.VMEM((rpw // CH, CH), jnp.int32),
            pltpu.VMEM((rpw, C), jnp.float32),
            pltpu.SemaphoreType.DMA,
            pltpu.SemaphoreType.DMA,
            pltpu.SemaphoreType.DMA,
            pltpu.SemaphoreType.DMA,
            pltpu.SemaphoreType.DMA,
        ],
    )(index3, t, src)


def _loss_body(B, out_ref, qr_ref, og_ref, pp_ref, res_ref, acc_ref):
    x = out_ref[...]
    ex = jnp.exp(x)
    ones = jnp.ones((x.shape[1], 1), jnp.float32)
    s_col = jnp.dot(ex, ones, preferred_element_type=jnp.float32)
    yp = jnp.clip(ex * (1.0 / s_col), CLIP_LO, CLIP_HI)

    xg = og_ref[...]
    eg = jnp.exp(xg)
    sg_col = jnp.dot(eg, ones, preferred_element_type=jnp.float32)
    ypg = jnp.clip(eg * (1.0 / sg_col), CLIP_LO, CLIP_HI)
    spg_col = jnp.dot(ypg, ones, preferred_element_type=jnp.float32)
    ydg = ypg * (1.0 / spg_col)

    p = (EMA * qr_ref[...] + (1.0 - EMA) * ydg) * yp
    inner_col = jnp.dot(p, ones, preferred_element_type=jnp.float32)
    w_col = jnp.log(s_col) + LAM * jnp.log(1.0 - inner_col)
    onesr = jnp.ones((1, w_col.shape[0]), jnp.float32)
    part = jnp.dot(onesr, w_col, preferred_element_type=jnp.float32)

    @pl.when(pl.program_id(0) == 0)
    def _():
        acc_ref[...] = jnp.zeros((1, 1), jnp.float32)
    acc_ref[...] += part

    @pl.when(pl.program_id(0) == pl.num_programs(0) - 1)
    def _():
        res_ref[...] = (acc_ref[...] - jnp.sum(pp_ref[...])) / B


def _tc_loss(output, qrows, outg, pick):
    B, C = output.shape
    G = B // BS
    return pl.pallas_call(
        functools.partial(_loss_body, B),
        grid=(G,),
        in_specs=[
            pl.BlockSpec((BS, C), lambda i: (i, 0)),
            pl.BlockSpec((BS, C), lambda i: (i, 0)),
            pl.BlockSpec((BS, C), lambda i: (i, 0)),
            pl.BlockSpec((NW, L), lambda i: (0, 0)),
        ],
        out_specs=pl.BlockSpec((1, 1), lambda i: (0, 0)),
        out_shape=jax.ShapeDtypeStruct((1, 1), jnp.float32),
        scratch_shapes=[pltpu.VMEM((1, 1), jnp.float32)],
    )(output, qrows, outg, pick)


def kernel(index, output, label, Q):
    B, C = output.shape
    N = Q.shape[0]
    rpw = B // NW
    vsp = ((N + NW - 1) // NW + 7) // 8 * 8

    idx = index.astype(jnp.int32)
    index3 = idx.reshape(NW, rpw // CH, CH)
    lab = label.astype(jnp.int32)
    outflat = output.reshape(B * C)

    t, qrows, pick = _sc_a(idx, lab, outflat, Q, vsp)
    outg = _sc_b(index3, t, output)
    res = _tc_loss(output, qrows, outg, pick)
    return res[0, 0]

# --- scband reference (transcript-rebuilt; emitter-appended) ---
"""Pipeline reference for scband-elrloss-38938173505905 (READ-ONLY COPY).

The authoritative reference and input builder live on the scoring server;
editing this copy changes nothing except your own understanding.
"""

import jax, jax.numpy as jnp
import numpy as np

B = 16384
C = 128
N = 1000000
EMA = 0.7
LAM = 3.0

def setup_inputs(seed: int = 0):
    key = jax.random.key(seed)
    k1, k2, k3 = jax.random.split(key, 3)
    index = jax.random.randint(k1, (B,), 0, N, dtype=jnp.int32)
    output = jax.random.normal(k2, (B, C), dtype=jnp.float32)
    label = jax.random.randint(k3, (B,), 0, C, dtype=jnp.int32)
    Q = jnp.zeros((N, C), dtype=jnp.float32)
    return {"index": index, "output": output, "label": label, "Q": Q}

def reference(index, output, label, Q):
    # per-sample cross entropy
    ce = jax.nn.logsumexp(output, axis=1) - jnp.take_along_axis(output, label[:, None].astype(jnp.int32), axis=1)[:, 0]
    y_pred = jax.nn.softmax(output, axis=1)
    y_pred = jnp.clip(y_pred, 0.0001, 1.0 - 0.0001)
    # detached, renormalized prediction for EMA update (no_grad in torch)
    y_det = jax.lax.stop_gradient(y_pred)
    y_det = y_det / y_det.sum(axis=1, keepdims=True)
    # EMA scatter-update into the running target buffer Q
    upd = EMA * jnp.take(Q, index, axis=0) + (1.0 - EMA) * y_det
    Q_new = Q.at[index].set(upd)
    # gather back updated rows (matches torch semantics for duplicate indices: last write wins)
    q_rows = jax.lax.stop_gradient(jnp.take(Q_new, index, axis=0))
    inner = (q_rows * y_pred).sum(axis=1)
    elr = jnp.log(1.0 - inner)
    return (ce + LAM * elr).mean()

if __name__ == "__main__":
    import jax
    _d = setup_inputs()
    print(jax.jit(kernel)(*tuple(_d.values())))

</pallas_src>

<mosaic_0001>
#map = affine_map<(d0, d1) -> (0, 0, 0)>
#map1 = affine_map<(d0, d1) -> (0)>
#map2 = affine_map<(d0, d1) -> (0, 0)>
module attributes {stable_mosaic.version = 14 : i64} {
  func.func @_sc_b_body(%arg0: i32, %arg1: i32, %arg2: memref<32x4x128xi32, #tpu.memory_space<hbm>>, %arg3: memref<1000192xi32, #tpu.memory_space<hbm>>, %arg4: memref<16384x128xf32, #tpu.memory_space<hbm>>, %arg5: memref<16384x128xf32, #tpu.memory_space<hbm>>, %arg6: memref<4x128xi32, #tpu.memory_space<vmem>>, %arg7: memref<4x128xi32, #tpu.memory_space<vmem>>, %arg8: memref<512x128xf32, #tpu.memory_space<vmem>>, %arg9: memref<!tpu.dma_semaphore, #tpu.memory_space<semaphore_mem>>, %arg10: memref<!tpu.dma_semaphore, #tpu.memory_space<semaphore_mem>>, %arg11: memref<!tpu.dma_semaphore, #tpu.memory_space<semaphore_mem>>, %arg12: memref<!tpu.dma_semaphore, #tpu.memory_space<semaphore_mem>>, %arg13: memref<!tpu.dma_semaphore, #tpu.memory_space<semaphore_mem>>) attributes {dimension_semantics = [#tpu.dimension_semantics<core_parallel>, #tpu.dimension_semantics<subcore_parallel>], iteration_bounds = array<i64: 2, 16>, scalar_prefetch = 0 : i64, scratch_operands = 8 : i64, tpu.core_type = #tpu.core_type<sc_vector_subcore>, window_params = [{transform_indices = #map}, {transform_indices = #map1}, {transform_indices = #map2}, {transform_indices = #map2}]} {
    %mul3A = arith.constant 2 : i32
    %mul3A_0 = arith.muli %arg1, %mul3A : i32
    %add3A = arith.addi %mul3A_0, %arg0 : i32
    "tpu.region"() ({
      %run_scoped3A = tpu.sem_alloc : memref<!tpu.dma_semaphore, #tpu.memory_space<semaphore_mem>>
      %dma_start3A_161 = arith.constant 0 : i32
      %dma_start3A_162 = arith.constant 0 : i32
      %dma_start3A_163 = tpu.memref_slice %arg2[%add3A, %dma_start3A_161, %dma_start3A_162] : memref<32x4x128xi32, #tpu.memory_space<hbm>> -> memref<1x4x128xi32, #tpu.memory_space<hbm>>
      %dma_start3A_164 = tpu.memref_squeeze %dma_start3A_163 : memref<1x4x128xi32, #tpu.memory_space<hbm>> -> memref<4x128xi32, #tpu.memory_space<hbm>>
      %dma_start3A_165 = arith.constant 0 : i32
      %dma_start3A_166 = arith.constant 0 : i32
      %dma_start3A_167 = tpu.memref_slice %arg2[%add3A, %dma_start3A_165, %dma_start3A_166] : memref<32x4x128xi32, #tpu.memory_space<hbm>> -> memref<1x4x128xi32, #tpu.memory_space<hbm>>
      %dma_start3A_168 = tpu.memref_squeeze %dma_start3A_167 : memref<1x4x128xi32, #tpu.memory_space<hbm>> -> memref<4x128xi32, #tpu.memory_space<hbm>>
      tpu.enqueue_dma source(%dma_start3A_168 : memref<4x128xi32, #tpu.memory_space<hbm>>) target(%arg6 : memref<4x128xi32, #tpu.memory_space<vmem>>) target_semaphore(%run_scoped3A : memref<!tpu.dma_semaphore, #tpu.memory_space<semaphore_mem>>)
      %dma_wait3A_169 = arith.constant 0 : i32
      %dma_wait3A_170 = arith.constant 0 : i32
      %dma_wait3A_171 = tpu.memref_slice %arg2[%add3A, %dma_wait3A_169, %dma_wait3A_170] : memref<32x4x128xi32, #tpu.memory_space<hbm>> -> memref<1x4x128xi32, #tpu.memory_space<hbm>>
      %dma_wait3A_172 = tpu.memref_squeeze %dma_wait3A_171 : memref<1x4x128xi32, #tpu.memory_space<hbm>> -> memref<4x128xi32, #tpu.memory_space<hbm>>
      %dma_wait3A_173 = arith.constant 0 : i32
      %dma_wait3A_174 = arith.constant 0 : i32
      %dma_wait3A_175 = tpu.memref_slice %arg2[%add3A, %dma_wait3A_173, %dma_wait3A_174] : memref<32x4x128xi32, #tpu.memory_space<hbm>> -> memref<1x4x128xi32, #tpu.memory_space<hbm>>
      %dma_wait3A_176 = tpu.memref_squeeze %dma_wait3A_175 : memref<1x4x128xi32, #tpu.memory_space<hbm>> -> memref<4x128xi32, #tpu.memory_space<hbm>>
      tpu.wait_dma2 semaphore(%run_scoped3A : memref<!tpu.dma_semaphore, #tpu.memory_space<semaphore_mem>>) src(%dma_wait3A_176 : memref<4x128xi32, #tpu.memory_space<hbm>>) dst(%arg6 : memref<4x128xi32, #tpu.memory_space<vmem>>)
      tpu.yield
    }) : () -> ()
    %dma_start3A = arith.constant 0 : i32
    %dma_start3A_1 = arith.constant 0 : i32
    %dma_start3A_2 = arith.constant 0 : i32
    %dma_start3A_3 = tpu.memref_slice %arg7[%dma_start3A_1, %dma_start3A_2] : memref<4x128xi32, #tpu.memory_space<vmem>> -> memref<1x128xi32, #tpu.memory_space<vmem>>
    %dma_start3A_4 = tpu.memref_squeeze %dma_start3A_3 : memref<1x128xi32, #tpu.memory_space<vmem>> -> memref<128xi32, #tpu.memory_space<vmem>>
    %dma_start3A_5 = arith.constant 0 : i32
    %dma_start3A_6 = tpu.memref_slice %arg6[%dma_start3A, %dma_start3A_5] : memref<4x128xi32, #tpu.memory_space<vmem>> -> memref<1x128xi32, #tpu.memory_space<vmem>>
    %dma_start3A_7 = tpu.memref_squeeze %dma_start3A_6 : memref<1x128xi32, #tpu.memory_space<vmem>> -> memref<128xi32, #tpu.memory_space<vmem>>
    %dma_start3A_8 = arith.constant 0 : i32
    %dma_start3A_9 = tpu.memref_slice %arg3[%dma_start3A_8] : memref<1000192xi32, #tpu.memory_space<hbm>> -> memref<1000192xi32, #tpu.memory_space<hbm>>
    tpu.enqueue_indirect_dma source(%dma_start3A_9 : memref<1000192xi32, #tpu.memory_space<hbm>>) target(%dma_start3A_4 : memref<128xi32, #tpu.memory_space<vmem>>) offsets(%dma_start3A_7 : memref<128xi32, #tpu.memory_space<vmem>>) semaphore(%arg10 : memref<!tpu.dma_semaphore, #tpu.memory_space<semaphore_mem>>)
    %dma_start3A_10 = arith.constant 1 : i32
    %dma_start3A_11 = arith.constant 1 : i32
    %dma_start3A_12 = arith.constant 0 : i32
    %dma_start3A_13 = tpu.memref_slice %arg7[%dma_start3A_11, %dma_start3A_12] : memref<4x128xi32, #tpu.memory_space<vmem>> -> memref<1x128xi32, #tpu.memory_space<vmem>>
    %dma_start3A_14 = tpu.memref_squeeze %dma_start3A_13 : memref<1x128xi32, #tpu.memory_space<vmem>> -> memref<128xi32, #tpu.memory_space<vmem>>
    %dma_start3A_15 = arith.constant 0 : i32
    %dma_start3A_16 = tpu.memref_slice %arg6[%dma_start3A_10, %dma_start3A_15] : memref<4x128xi32, #tpu.memory_space<vmem>> -> memref<1x128xi32, #tpu.memory_space<vmem>>
    %dma_start3A_17 = tpu.memref_squeeze %dma_start3A_16 : memref<1x128xi32, #tpu.memory_space<vmem>> -> memref<128xi32, #tpu.memory_space<vmem>>
    %dma_start3A_18 = arith.constant 0 : i32
    %dma_start3A_19 = tpu.memref_slice %arg3[%dma_start3A_18] : memref<1000192xi32, #tpu.memory_space<hbm>> -> memref<1000192xi32, #tpu.memory_space<hbm>>
    tpu.enqueue_indirect_dma source(%dma_start3A_19 : memref<1000192xi32, #tpu.memory_space<hbm>>) target(%dma_start3A_14 : memref<128xi32, #tpu.memory_space<vmem>>) offsets(%dma_start3A_17 : memref<128xi32, #tpu.memory_space<vmem>>) semaphore(%arg11 : memref<!tpu.dma_semaphore, #tpu.memory_space<semaphore_mem>>)
    %dma_start3A_20 = arith.constant 2 : i32
    %dma_start3A_21 = arith.constant 2 : i32
    %dma_start3A_22 = arith.constant 0 : i32
    %dma_start3A_23 = tpu.memref_slice %arg7[%dma_start3A_21, %dma_start3A_22] : memref<4x128xi32, #tpu.memory_space<vmem>> -> memref<1x128xi32, #tpu.memory_space<vmem>>
    %dma_start3A_24 = tpu.memref_squeeze %dma_start3A_23 : memref<1x128xi32, #tpu.memory_space<vmem>> -> memref<128xi32, #tpu.memory_space<vmem>>
    %dma_start3A_25 = arith.constant 0 : i32
    %dma_start3A_26 = tpu.memref_slice %arg6[%dma_start3A_20, %dma_start3A_25] : memref<4x128xi32, #tpu.memory_space<vmem>> -> memref<1x128xi32, #tpu.memory_space<vmem>>
    %dma_start3A_27 = tpu.memref_squeeze %dma_start3A_26 : memref<1x128xi32, #tpu.memory_space<vmem>> -> memref<128xi32, #tpu.memory_space<vmem>>
    %dma_start3A_28 = arith.constant 0 : i32
    %dma_start3A_29 = tpu.memref_slice %arg3[%dma_start3A_28] : memref<1000192xi32, #tpu.memory_space<hbm>> -> memref<1000192xi32, #tpu.memory_space<hbm>>
    tpu.enqueue_indirect_dma source(%dma_start3A_29 : memref<1000192xi32, #tpu.memory_space<hbm>>) target(%dma_start3A_24 : memref<128xi32, #tpu.memory_space<vmem>>) offsets(%dma_start3A_27 : memref<128xi32, #tpu.memory_space<vmem>>) semaphore(%arg12 : memref<!tpu.dma_semaphore, #tpu.memory_space<semaphore_mem>>)
    %dma_start3A_30 = arith.constant 3 : i32
    %dma_start3A_31 = arith.constant 3 : i32
    %dma_start3A_32 = arith.constant 0 : i32
    %dma_start3A_33 = tpu.memref_slice %arg7[%dma_start3A_31, %dma_start3A_32] : memref<4x128xi32, #tpu.memory_space<vmem>> -> memref<1x128xi32, #tpu.memory_space<vmem>>
    %dma_start3A_34 = tpu.memref_squeeze %dma_start3A_33 : memref<1x128xi32, #tpu.memory_space<vmem>> -> memref<128xi32, #tpu.memory_space<vmem>>
    %dma_start3A_35 = arith.constant 0 : i32
    %dma_start3A_36 = tpu.memref_slice %arg6[%dma_start3A_30, %dma_start3A_35] : memref<4x128xi32, #tpu.memory_space<vmem>> -> memref<1x128xi32, #tpu.memory_space<vmem>>
    %dma_start3A_37 = tpu.memref_squeeze %dma_start3A_36 : memref<1x128xi32, #tpu.memory_space<vmem>> -> memref<128xi32, #tpu.memory_space<vmem>>
    %dma_start3A_38 = arith.constant 0 : i32
    %dma_start3A_39 = tpu.memref_slice %arg3[%dma_start3A_38] : memref<1000192xi32, #tpu.memory_space<hbm>> -> memref<1000192xi32, #tpu.memory_space<hbm>>
    tpu.enqueue_indirect_dma source(%dma_start3A_39 : memref<1000192xi32, #tpu.memory_space<hbm>>) target(%dma_start3A_34 : memref<128xi32, #tpu.memory_space<vmem>>) offsets(%dma_start3A_37 : memref<128xi32, #tpu.memory_space<vmem>>) semaphore(%arg13 : memref<!tpu.dma_semaphore, #tpu.memory_space<semaphore_mem>>)
    %dma_wait3A = arith.constant 0 : i32
    %dma_wait3A_40 = arith.constant 0 : i32
    %dma_wait3A_41 = arith.constant 0 : i32
    %dma_wait3A_42 = tpu.memref_slice %arg7[%dma_wait3A_40, %dma_wait3A_41] : memref<4x128xi32, #tpu.memory_space<vmem>> -> memref<1x128xi32, #tpu.memory_space<vmem>>
    %dma_wait3A_43 = tpu.memref_squeeze %dma_wait3A_42 : memref<1x128xi32, #tpu.memory_space<vmem>> -> memref<128xi32, #tpu.memory_space<vmem>>
    %dma_wait3A_44 = arith.constant 0 : i32
    %dma_wait3A_45 = tpu.memref_slice %arg6[%dma_wait3A, %dma_wait3A_44] : memref<4x128xi32, #tpu.memory_space<vmem>> -> memref<1x128xi32, #tpu.memory_space<vmem>>
    %dma_wait3A_46 = tpu.memref_squeeze %dma_wait3A_45 : memref<1x128xi32, #tpu.memory_space<vmem>> -> memref<128xi32, #tpu.memory_space<vmem>>
    %dma_wait3A_47 = arith.constant 0 : i32
    %dma_wait3A_48 = tpu.memref_slice %arg3[%dma_wait3A_47] : memref<1000192xi32, #tpu.memory_space<hbm>> -> memref<1000192xi32, #tpu.memory_space<hbm>>
    tpu.wait_indirect_dma semaphore(%arg10 : memref<!tpu.dma_semaphore, #tpu.memory_space<semaphore_mem>>) src(%dma_wait3A_48 : memref<1000192xi32, #tpu.memory_space<hbm>>) dst(%dma_wait3A_43 : memref<128xi32, #tpu.memory_space<vmem>>)
    %dma_start3A_49 = arith.constant 0 : i32
    %dma_start3A_50 = arith.constant 0 : i32
    %dma_start3A_51 = arith.constant 0 : i32
    %dma_start3A_52 = tpu.memref_slice %arg8[%dma_start3A_50, %dma_start3A_51] : memref<512x128xf32, #tpu.memory_space<vmem>> -> memref<128x128xf32, #tpu.memory_space<vmem>>
    %dma_start3A_53 = arith.constant 0 : i32
    %dma_start3A_54 = tpu.memref_slice %arg7[%dma_start3A_49, %dma_start3A_53] : memref<4x128xi32, #tpu.memory_space<vmem>> -> memref<1x128xi32, #tpu.memory_space<vmem>>
    %dma_start3A_55 = tpu.memref_squeeze %dma_start3A_54 : memref<1x128xi32, #tpu.memory_space<vmem>> -> memref<128xi32, #tpu.memory_space<vmem>>
    %dma_start3A_56 = arith.constant 0 : i32
    %dma_start3A_57 = arith.constant 0 : i32
    %dma_start3A_58 = tpu.memref_slice %arg4[%dma_start3A_56, %dma_start3A_57] : memref<16384x128xf32, #tpu.memory_space<hbm>> -> memref<16384x128xf32, #tpu.memory_space<hbm>>
    tpu.enqueue_indirect_dma source(%dma_start3A_58 : memref<16384x128xf32, #tpu.memory_space<hbm>>) target(%dma_start3A_52 : memref<128x128xf32, #tpu.memory_space<vmem>>) offsets(%dma_start3A_55 : memref<128xi32, #tpu.memory_space<vmem>>) semaphore(%arg9 : memref<!tpu.dma_semaphore, #tpu.memory_space<semaphore_mem>>)
    %dma_wait3A_59 = arith.constant 1 : i32
    %dma_wait3A_60 = arith.constant 1 : i32
    %dma_wait3A_61 = arith.constant 0 : i32
    %dma_wait3A_62 = tpu.memref_slice %arg7[%dma_wait3A_60, %dma_wait3A_61] : memref<4x128xi32, #tpu.memory_space<vmem>> -> memref<1x128xi32, #tpu.memory_space<vmem>>
    %dma_wait3A_63 = tpu.memref_squeeze %dma_wait3A_62 : memref<1x128xi32, #tpu.memory_space<vmem>> -> memref<128xi32, #tpu.memory_space<vmem>>
    %dma_wait3A_64 = arith.constant 0 : i32
    %dma_wait3A_65 = tpu.memref_slice %arg6[%dma_wait3A_59, %dma_wait3A_64] : memref<4x128xi32, #tpu.memory_space<vmem>> -> memref<1x128xi32, #tpu.memory_space<vmem>>
    %dma_wait3A_66 = tpu.memref_squeeze %dma_wait3A_65 : memref<1x128xi32, #tpu.memory_space<vmem>> -> memref<128xi32, #tpu.memory_space<vmem>>
    %dma_wait3A_67 = arith.constant 0 : i32
    %dma_wait3A_68 = tpu.memref_slice %arg3[%dma_wait3A_67] : memref<1000192xi32, #tpu.memory_space<hbm>> -> memref<1000192xi32, #tpu.memory_space<hbm>>
    tpu.wait_indirect_dma semaphore(%arg11 : memref<!tpu.dma_semaphore, #tpu.memory_space<semaphore_mem>>) src(%dma_wait3A_68 : memref<1000192xi32, #tpu.memory_space<hbm>>) dst(%dma_wait3A_63 : memref<128xi32, #tpu.memory_space<vmem>>)
    %dma_start3A_69 = arith.constant 1 : i32
    %dma_start3A_70 = arith.constant 128 : i32
    %dma_start3A_71 = arith.constant 0 : i32
    %dma_start3A_72 = tpu.memref_slice %arg8[%dma_start3A_70, %dma_start3A_71] : memref<512x128xf32, #tpu.memory_space<vmem>> -> memref<128x128xf32, #tpu.memory_space<vmem>>
    %dma_start3A_73 = arith.constant 0 : i32
    %dma_start3A_74 = tpu.memref_slice %arg7[%dma_start3A_69, %dma_start3A_73] : memref<4x128xi32, #tpu.memory_space<vmem>> -> memref<1x128xi32, #tpu.memory_space<vmem>>
    %dma_start3A_75 = tpu.memref_squeeze %dma_start3A_74 : memref<1x128xi32, #tpu.memory_space<vmem>> -> memref<128xi32, #tpu.memory_space<vmem>>
    %dma_start3A_76 = arith.constant 0 : i32
    %dma_start3A_77 = arith.constant 0 : i32
    %dma_start3A_78 = tpu.memref_slice %arg4[%dma_start3A_76, %dma_start3A_77] : memref<16384x128xf32, #tpu.memory_space<hbm>> -> memref<16384x128xf32, #tpu.memory_space<hbm>>
    tpu.enqueue_indirect_dma source(%dma_start3A_78 : memref<16384x128xf32, #tpu.memory_space<hbm>>) target(%dma_start3A_72 : memref<128x128xf32, #tpu.memory_space<vmem>>) offsets(%dma_start3A_75 : memref<128xi32, #tpu.memory_space<vmem>>) semaphore(%arg9 : memref<!tpu.dma_semaphore, #tpu.memory_space<semaphore_mem>>)
    %dma_wait3A_79 = arith.constant 2 : i32
    %dma_wait3A_80 = arith.constant 2 : i32
    %dma_wait3A_81 = arith.constant 0 : i32
    %dma_wait3A_82 = tpu.memref_slice %arg7[%dma_wait3A_80, %dma_wait3A_81] : memref<4x128xi32, #tpu.memory_space<vmem>> -> memref<1x128xi32, #tpu.memory_space<vmem>>
    %dma_wait3A_83 = tpu.memref_squeeze %dma_wait3A_82 : memref<1x128xi32, #tpu.memory_space<vmem>> -> memref<128xi32, #tpu.memory_space<vmem>>
    %dma_wait3A_84 = arith.constant 0 : i32
    %dma_wait3A_85 = tpu.memref_slice %arg6[%dma_wait3A_79, %dma_wait3A_84] : memref<4x128xi32, #tpu.memory_space<vmem>> -> memref<1x128xi32, #tpu.memory_space<vmem>>
    %dma_wait3A_86 = tpu.memref_squeeze %dma_wait3A_85 : memref<1x128xi32, #tpu.memory_space<vmem>> -> memref<128xi32, #tpu.memory_space<vmem>>
    %dma_wait3A_87 = arith.constant 0 : i32
    %dma_wait3A_88 = tpu.memref_slice %arg3[%dma_wait3A_87] : memref<1000192xi32, #tpu.memory_space<hbm>> -> memref<1000192xi32, #tpu.memory_space<hbm>>
    tpu.wait_indirect_dma semaphore(%arg12 : memref<!tpu.dma_semaphore, #tpu.memory_space<semaphore_mem>>) src(%dma_wait3A_88 : memref<1000192xi32, #tpu.memory_space<hbm>>) dst(%dma_wait3A_83 : memref<128xi32, #tpu.memory_space<vmem>>)
    %dma_start3A_89 = arith.constant 2 : i32
    %dma_start3A_90 = arith.constant 256 : i32
    %dma_start3A_91 = arith.constant 0 : i32
    %dma_start3A_92 = tpu.memref_slice %arg8[%dma_start3A_90, %dma_start3A_91] : memref<512x128xf32, #tpu.memory_space<vmem>> -> memref<128x128xf32, #tpu.memory_space<vmem>>
    %dma_start3A_93 = arith.constant 0 : i32
    %dma_start3A_94 = tpu.memref_slice %arg7[%dma_start3A_89, %dma_start3A_93] : memref<4x128xi32, #tpu.memory_space<vmem>> -> memref<1x128xi32, #tpu.memory_space<vmem>>
    %dma_start3A_95 = tpu.memref_squeeze %dma_start3A_94 : memref<1x128xi32, #tpu.memory_space<vmem>> -> memref<128xi32, #tpu.memory_space<vmem>>
    %dma_start3A_96 = arith.constant 0 : i32
    %dma_start3A_97 = arith.constant 0 : i32
    %dma_start3A_98 = tpu.memref_slice %arg4[%dma_start3A_96, %dma_start3A_97] : memref<16384x128xf32, #tpu.memory_space<hbm>> -> memref<16384x128xf32, #tpu.memory_space<hbm>>
    tpu.enqueue_indirect_dma source(%dma_start3A_98 : memref<16384x128xf32, #tpu.memory_space<hbm>>) target(%dma_start3A_92 : memref<128x128xf32, #tpu.memory_space<vmem>>) offsets(%dma_start3A_95 : memref<128xi32, #tpu.memory_space<vmem>>) semaphore(%arg9 : memref<!tpu.dma_semaphore, #tpu.memory_space<semaphore_mem>>)
    %dma_wait3A_99 = arith.constant 3 : i32
    %dma_wait3A_100 = arith.constant 3 : i32
    %dma_wait3A_101 = arith.constant 0 : i32
    %dma_wait3A_102 = tpu.memref_slice %arg7[%dma_wait3A_100, %dma_wait3A_101] : memref<4x128xi32, #tpu.memory_space<vmem>> -> memref<1x128xi32, #tpu.memory_space<vmem>>
    %dma_wait3A_103 = tpu.memref_squeeze %dma_wait3A_102 : memref<1x128xi32, #tpu.memory_space<vmem>> -> memref<128xi32, #tpu.memory_space<vmem>>
    %dma_wait3A_104 = arith.constant 0 : i32
    %dma_wait3A_105 = tpu.memref_slice %arg6[%dma_wait3A_99, %dma_wait3A_104] : memref<4x128xi32, #tpu.memory_space<vmem>> -> memref<1x128xi32, #tpu.memory_space<vmem>>
    %dma_wait3A_106 = tpu.memref_squeeze %dma_wait3A_105 : memref<1x128xi32, #tpu.memory_space<vmem>> -> memref<128xi32, #tpu.memory_space<vmem>>
    %dma_wait3A_107 = arith.constant 0 : i32
    %dma_wait3A_108 = tpu.memref_slice %arg3[%dma_wait3A_107] : memref<1000192xi32, #tpu.memory_space<hbm>> -> memref<1000192xi32, #tpu.memory_space<hbm>>
    tpu.wait_indirect_dma semaphore(%arg13 : memref<!tpu.dma_semaphore, #tpu.memory_space<semaphore_mem>>) src(%dma_wait3A_108 : memref<1000192xi32, #tpu.memory_space<hbm>>) dst(%dma_wait3A_103 : memref<128xi32, #tpu.memory_space<vmem>>)
    %dma_start3A_109 = arith.constant 3 : i32
    %dma_start3A_110 = arith.constant 384 : i32
    %dma_start3A_111 = arith.constant 0 : i32
    %dma_start3A_112 = tpu.memref_slice %arg8[%dma_start3A_110, %dma_start3A_111] : memref<512x128xf32, #tpu.memory_space<vmem>> -> memref<128x128xf32, #tpu.memory_space<vmem>>
    %dma_start3A_113 = arith.constant 0 : i32
    %dma_start3A_114 = tpu.memref_slice %arg7[%dma_start3A_109, %dma_start3A_113] : memref<4x128xi32, #tpu.memory_space<vmem>> -> memref<1x128xi32, #tpu.memory_space<vmem>>
    %dma_start3A_115 = tpu.memref_squeeze %dma_start3A_114 : memref<1x128xi32, #tpu.memory_space<vmem>> -> memref<128xi32, #tpu.memory_space<vmem>>
    %dma_start3A_116 = arith.constant 0 : i32
    %dma_start3A_117 = arith.constant 0 : i32
    %dma_start3A_118 = tpu.memref_slice %arg4[%dma_start3A_116, %dma_start3A_117] : memref<16384x128xf32, #tpu.memory_space<hbm>> -> memref<16384x128xf32, #tpu.memory_space<hbm>>
    tpu.enqueue_indirect_dma source(%dma_start3A_118 : memref<16384x128xf32, #tpu.memory_space<hbm>>) target(%dma_start3A_112 : memref<128x128xf32, #tpu.memory_space<vmem>>) offsets(%dma_start3A_115 : memref<128xi32, #tpu.memory_space<vmem>>) semaphore(%arg9 : memref<!tpu.dma_semaphore, #tpu.memory_space<semaphore_mem>>)
    %dma_wait3A_119 = arith.constant 0 : i32
    %dma_wait3A_120 = arith.constant 0 : i32
    %dma_wait3A_121 = arith.constant 0 : i32
    %dma_wait3A_122 = tpu.memref_slice %arg8[%dma_wait3A_120, %dma_wait3A_121] : memref<512x128xf32, #tpu.memory_space<vmem>> -> memref<128x128xf32, #tpu.memory_space<vmem>>
    %dma_wait3A_123 = arith.constant 0 : i32
    %dma_wait3A_124 = tpu.memref_slice %arg7[%dma_wait3A_119, %dma_wait3A_123] : memref<4x128xi32, #tpu.memory_space<vmem>> -> memref<1x128xi32, #tpu.memory_space<vmem>>
    %dma_wait3A_125 = tpu.memref_squeeze %dma_wait3A_124 : memref<1x128xi32, #tpu.memory_space<vmem>> -> memref<128xi32, #tpu.memory_space<vmem>>
    %dma_wait3A_126 = arith.constant 0 : i32
    %dma_wait3A_127 = arith.constant 0 : i32
    %dma_wait3A_128 = tpu.memref_slice %arg4[%dma_wait3A_126, %dma_wait3A_127] : memref<16384x128xf32, #tpu.memory_space<hbm>> -> memref<16384x128xf32, #tpu.memory_space<hbm>>
    tpu.wait_indirect_dma semaphore(%arg9 : memref<!tpu.dma_semaphore, #tpu.memory_space<semaphore_mem>>) src(%dma_wait3A_128 : memref<16384x128xf32, #tpu.memory_space<hbm>>) dst(%dma_wait3A_122 : memref<128x128xf32, #tpu.memory_space<vmem>>)
    %dma_wait3A_129 = arith.constant 1 : i32
    %dma_wait3A_130 = arith.constant 128 : i32
    %dma_wait3A_131 = arith.constant 0 : i32
    %dma_wait3A_132 = tpu.memref_slice %arg8[%dma_wait3A_130, %dma_wait3A_131] : memref<512x128xf32, #tpu.memory_space<vmem>> -> memref<128x128xf32, #tpu.memory_space<vmem>>
    %dma_wait3A_133 = arith.constant 0 : i32
    %dma_wait3A_134 = tpu.memref_slice %arg7[%dma_wait3A_129, %dma_wait3A_133] : memref<4x128xi32, #tpu.memory_space<vmem>> -> memref<1x128xi32, #tpu.memory_space<vmem>>
    %dma_wait3A_135 = tpu.memref_squeeze %dma_wait3A_134 : memref<1x128xi32, #tpu.memory_space<vmem>> -> memref<128xi32, #tpu.memory_space<vmem>>
    %dma_wait3A_136 = arith.constant 0 : i32
    %dma_wait3A_137 = arith.constant 0 : i32
    %dma_wait3A_138 = tpu.memref_slice %arg4[%dma_wait3A_136, %dma_wait3A_137] : memref<16384x128xf32, #tpu.memory_space<hbm>> -> memref<16384x128xf32, #tpu.memory_space<hbm>>
    tpu.wait_indirect_dma semaphore(%arg9 : memref<!tpu.dma_semaphore, #tpu.memory_space<semaphore_mem>>) src(%dma_wait3A_138 : memref<16384x128xf32, #tpu.memory_space<hbm>>) dst(%dma_wait3A_132 : memref<128x128xf32, #tpu.memory_space<vmem>>)
    %dma_wait3A_139 = arith.constant 2 : i32
    %dma_wait3A_140 = arith.constant 256 : i32
    %dma_wait3A_141 = arith.constant 0 : i32
    %dma_wait3A_142 = tpu.memref_slice %arg8[%dma_wait3A_140, %dma_wait3A_141] : memref<512x128xf32, #tpu.memory_space<vmem>> -> memref<128x128xf32, #tpu.memory_space<vmem>>
    %dma_wait3A_143 = arith.constant 0 : i32
    %dma_wait3A_144 = tpu.memref_slice %arg7[%dma_wait3A_139, %dma_wait3A_143] : memref<4x128xi32, #tpu.memory_space<vmem>> -> memref<1x128xi32, #tpu.memory_space<vmem>>
    %dma_wait3A_145 = tpu.memref_squeeze %dma_wait3A_144 : memref<1x128xi32, #tpu.memory_space<vmem>> -> memref<128xi32, #tpu.memory_space<vmem>>
    %dma_wait3A_146 = arith.constant 0 : i32
    %dma_wait3A_147 = arith.constant 0 : i32
    %dma_wait3A_148 = tpu.memref_slice %arg4[%dma_wait3A_146, %dma_wait3A_147] : memref<16384x128xf32, #tpu.memory_space<hbm>> -> memref<16384x128xf32, #tpu.memory_space<hbm>>
    tpu.wait_indirect_dma semaphore(%arg9 : memref<!tpu.dma_semaphore, #tpu.memory_space<semaphore_mem>>) src(%dma_wait3A_148 : memref<16384x128xf32, #tpu.memory_space<hbm>>) dst(%dma_wait3A_142 : memref<128x128xf32, #tpu.memory_space<vmem>>)
    %dma_wait3A_149 = arith.constant 3 : i32
    %dma_wait3A_150 = arith.constant 384 : i32
    %dma_wait3A_151 = arith.constant 0 : i32
    %dma_wait3A_152 = tpu.memref_slice %arg8[%dma_wait3A_150, %dma_wait3A_151] : memref<512x128xf32, #tpu.memory_space<vmem>> -> memref<128x128xf32, #tpu.memory_space<vmem>>
    %dma_wait3A_153 = arith.constant 0 : i32
    %dma_wait3A_154 = tpu.memref_slice %arg7[%dma_wait3A_149, %dma_wait3A_153] : memref<4x128xi32, #tpu.memory_space<vmem>> -> memref<1x128xi32, #tpu.memory_space<vmem>>
    %dma_wait3A_155 = tpu.memref_squeeze %dma_wait3A_154 : memref<1x128xi32, #tpu.memory_space<vmem>> -> memref<128xi32, #tpu.memory_space<vmem>>
    %dma_wait3A_156 = arith.constant 0 : i32
    %dma_wait3A_157 = arith.constant 0 : i32
    %dma_wait3A_158 = tpu.memref_slice %arg4[%dma_wait3A_156, %dma_wait3A_157] : memref<16384x128xf32, #tpu.memory_space<hbm>> -> memref<16384x128xf32, #tpu.memory_space<hbm>>
    tpu.wait_indirect_dma semaphore(%arg9 : memref<!tpu.dma_semaphore, #tpu.memory_space<semaphore_mem>>) src(%dma_wait3A_158 : memref<16384x128xf32, #tpu.memory_space<hbm>>) dst(%dma_wait3A_152 : memref<128x128xf32, #tpu.memory_space<vmem>>)
    %mul3A_159 = arith.constant 512 : i32
    %mul3A_160 = arith.muli %add3A, %mul3A_159 : i32
    "tpu.region"() ({
      %run_scoped3A = tpu.sem_alloc : memref<!tpu.dma_semaphore, #tpu.memory_space<semaphore_mem>>
      %dma_start3A_161 = arith.constant 0 : i32
      %dma_start3A_162 = tpu.memref_slice %arg5[%mul3A_160, %dma_start3A_161] : memref<16384x128xf32, #tpu.memory_space<hbm>> -> memref<512x128xf32, #tpu.memory_space<hbm>>
      %dma_start3A_163 = arith.constant 0 : i32
      %dma_start3A_164 = tpu.memref_slice %arg5[%mul3A_160, %dma_start3A_163] : memref<16384x128xf32, #tpu.memory_space<hbm>> -> memref<512x128xf32, #tpu.memory_space<hbm>>
      tpu.enqueue_dma source(%arg8 : memref<512x128xf32, #tpu.memory_space<vmem>>) target(%dma_start3A_164 : memref<512x128xf32, #tpu.memory_space<hbm>>) target_semaphore(%run_scoped3A : memref<!tpu.dma_semaphore, #tpu.memory_space<semaphore_mem>>)
      %dma_wait3A_165 = arith.constant 0 : i32
      %dma_wait3A_166 = tpu.memref_slice %arg5[%mul3A_160, %dma_wait3A_165] : memref<16384x128xf32, #tpu.memory_space<hbm>> -> memref<512x128xf32, #tpu.memory_space<hbm>>
      %dma_wait3A_167 = arith.constant 0 : i32
      %dma_wait3A_168 = tpu.memref_slice %arg5[%mul3A_160, %dma_wait3A_167] : memref<16384x128xf32, #tpu.memory_space<hbm>> -> memref<512x128xf32, #tpu.memory_space<hbm>>
      tpu.wait_dma2 semaphore(%run_scoped3A : memref<!tpu.dma_semaphore, #tpu.memory_space<semaphore_mem>>) src(%arg8 : memref<512x128xf32, #tpu.memory_space<vmem>>) dst(%dma_wait3A_168 : memref<512x128xf32, #tpu.memory_space<hbm>>)
      tpu.yield
    }) : () -> ()
    return
  }
}

#map = affine_map<(d0, d1) -> (0)>
#map1 = affine_map<(d0, d1) -> (0, 0)>
module attributes {stable_mosaic.version = 14 : i64} {
  func.func @_sc_a_body(%arg0: i32, %arg1: i32, %arg2: memref<16384xi32, #tpu.memory_space<hbm>>, %arg3: memref<16384xi32, #tpu.memory_space<hbm>>, %arg4: memref<2097152xf32, #tpu.memory_space<hbm>>, %arg5: memref<1000000x128xf32, #tpu.memory_space<hbm>>, %arg6: memref<1000192xi32, #tpu.memory_space<hbm>>, %arg7: memref<16384x128xf32, #tpu.memory_space<hbm>>, %arg8: memref<32x16xf32, #tpu.memory_space<hbm>>, %arg9: memref<16384xi32, #tpu.memory_space<vmem>>, %arg10: memref<31256xi32, #tpu.memory_space<vmem>>, %arg11: memref<512x128xf32, #tpu.memory_space<vmem>>, %arg12: memref<512xi32, #tpu.memory_space<vmem>>, %arg13: memref<512xi32, #tpu.memory_space<vmem>>, %arg14: memref<512xf32, #tpu.memory_space<vmem>>, %arg15: memref<16xf32, #tpu.memory_space<vmem>>, %arg16: memref<!tpu.dma_semaphore, #tpu.memory_space<semaphore_mem>>, %arg17: memref<!tpu.dma_semaphore, #tpu.memory_space<semaphore_mem>>, %arg18: memref<!tpu.dma_semaphore, #tpu.memory_space<semaphore_mem>>) attributes {dimension_semantics = [#tpu.dimension_semantics<core_parallel>, #tpu.dimension_semantics<subcore_parallel>], iteration_bounds = array<i64: 2, 16>, scalar_prefetch = 0 : i64, scratch_operands = 10 : i64, tpu.core_type = #tpu.core_type<sc_vector_subcore>, window_params = [{transform_indices = #map}, {transform_indices = #map}, {transform_indices = #map}, {transform_indices = #map1}, {transform_indices = #map}, {transform_indices = #map1}, {transform_indices = #map1}]} {
    %mul3A = arith.constant 2 : i32
    %mul3A_0 = arith.muli %arg1, %mul3A : i32
    %add3A = arith.addi %mul3A_0, %arg0 : i32
    %mul3A_1 = arith.constant 31256 : i32
    %mul3A_2 = arith.muli %add3A, %mul3A_1 : i32
    %mul3A_3 = arith.constant 512 : i32
    %mul3A_4 = arith.muli %add3A, %mul3A_3 : i32
    "tpu.region"() ({
      %run_scoped3A = tpu.sem_alloc : memref<!tpu.dma_semaphore, #tpu.memory_space<semaphore_mem>>
      tpu.enqueue_dma source(%arg2 : memref<16384xi32, #tpu.memory_space<hbm>>) target(%arg9 : memref<16384xi32, #tpu.memory_space<vmem>>) target_semaphore(%run_scoped3A : memref<!tpu.dma_semaphore, #tpu.memory_space<semaphore_mem>>)
      tpu.wait_dma2 semaphore(%run_scoped3A : memref<!tpu.dma_semaphore, #tpu.memory_space<semaphore_mem>>) src(%arg2 : memref<16384xi32, #tpu.memory_space<hbm>>) dst(%arg9 : memref<16384xi32, #tpu.memory_space<vmem>>)
      tpu.yield
    }) : () -> ()
    "tpu.region"() ({
      %run_scoped3A = tpu.sem_alloc : memref<!tpu.dma_semaphore, #tpu.memory_space<semaphore_mem>>
      %dma_start3A_599 = tpu.memref_slice %arg3[%mul3A_4] : memref<16384xi32, #tpu.memory_space<hbm>> -> memref<512xi32, #tpu.memory_space<hbm>>
      %dma_start3A_600 = tpu.memref_slice %arg3[%mul3A_4] : memref<16384xi32, #tpu.memory_space<hbm>> -> memref<512xi32, #tpu.memory_space<hbm>>
      tpu.enqueue_dma source(%dma_start3A_600 : memref<512xi32, #tpu.memory_space<hbm>>) target(%arg12 : memref<512xi32, #tpu.memory_space<vmem>>) target_semaphore(%run_scoped3A : memref<!tpu.dma_semaphore, #tpu.memory_space<semaphore_mem>>)
      %dma_wait3A_601 = tpu.memref_slice %arg3[%mul3A_4] : memref<16384xi32, #tpu.memory_space<hbm>> -> memref<512xi32, #tpu.memory_space<hbm>>
      %dma_wait3A_602 = tpu.memref_slice %arg3[%mul3A_4] : memref<16384xi32, #tpu.memory_space<hbm>> -> memref<512xi32, #tpu.memory_space<hbm>>
      tpu.wait_dma2 semaphore(%run_scoped3A : memref<!tpu.dma_semaphore, #tpu.memory_space<semaphore_mem>>) src(%dma_wait3A_602 : memref<512xi32, #tpu.memory_space<hbm>>) dst(%arg12 : memref<512xi32, #tpu.memory_space<vmem>>)
      tpu.yield
    }) : () -> ()
    %add3A_5 = arith.constant 0 : i32
    %add3A_6 = arith.addi %mul3A_4, %add3A_5 : i32
    %dma_start3A = arith.constant 0 : i32
    %dma_start3A_7 = arith.constant 0 : i32
    %dma_start3A_8 = tpu.memref_slice %arg11[%dma_start3A, %dma_start3A_7] : memref<512x128xf32, #tpu.memory_space<vmem>> -> memref<128x128xf32, #tpu.memory_space<vmem>>
    %dma_start3A_9 = tpu.memref_slice %arg9[%add3A_6] : memref<16384xi32, #tpu.memory_space<vmem>> -> memref<128xi32, #tpu.memory_space<vmem>>
    %dma_start3A_10 = arith.constant 0 : i32
    %dma_start3A_11 = arith.constant 0 : i32
    %dma_start3A_12 = tpu.memref_slice %arg5[%dma_start3A_10, %dma_start3A_11] : memref<1000000x128xf32, #tpu.memory_space<hbm>> -> memref<1000000x128xf32, #tpu.memory_space<hbm>>
    tpu.enqueue_indirect_dma source(%dma_start3A_12 : memref<1000000x128xf32, #tpu.memory_space<hbm>>) target(%dma_start3A_8 : memref<128x128xf32, #tpu.memory_space<vmem>>) offsets(%dma_start3A_9 : memref<128xi32, #tpu.memory_space<vmem>>) semaphore(%arg16 : memref<!tpu.dma_semaphore, #tpu.memory_space<semaphore_mem>>)
    %add3A_13 = arith.constant 128 : i32
    %add3A_14 = arith.addi %mul3A_4, %add3A_13 : i32
    %dma_start3A_15 = arith.constant 128 : i32
    %dma_start3A_16 = arith.constant 0 : i32
    %dma_start3A_17 = tpu.memref_slice %arg11[%dma_start3A_15, %dma_start3A_16] : memref<512x128xf32, #tpu.memory_space<vmem>> -> memref<128x128xf32, #tpu.memory_space<vmem>>
    %dma_start3A_18 = tpu.memref_slice %arg9[%add3A_14] : memref<16384xi32, #tpu.memory_space<vmem>> -> memref<128xi32, #tpu.memory_space<vmem>>
    %dma_start3A_19 = arith.constant 0 : i32
    %dma_start3A_20 = arith.constant 0 : i32
    %dma_start3A_21 = tpu.memref_slice %arg5[%dma_start3A_19, %dma_start3A_20] : memref<1000000x128xf32, #tpu.memory_space<hbm>> -> memref<1000000x128xf32, #tpu.memory_space<hbm>>
    tpu.enqueue_indirect_dma source(%dma_start3A_21 : memref<1000000x128xf32, #tpu.memory_space<hbm>>) target(%dma_start3A_17 : memref<128x128xf32, #tpu.memory_space<vmem>>) offsets(%dma_start3A_18 : memref<128xi32, #tpu.memory_space<vmem>>) semaphore(%arg16 : memref<!tpu.dma_semaphore, #tpu.memory_space<semaphore_mem>>)
    %add3A_22 = arith.constant 256 : i32
    %add3A_23 = arith.addi %mul3A_4, %add3A_22 : i32
    %dma_start3A_24 = arith.constant 256 : i32
    %dma_start3A_25 = arith.constant 0 : i32
    %dma_start3A_26 = tpu.memref_slice %arg11[%dma_start3A_24, %dma_start3A_25] : memref<512x128xf32, #tpu.memory_space<vmem>> -> memref<128x128xf32, #tpu.memory_space<vmem>>
    %dma_start3A_27 = tpu.memref_slice %arg9[%add3A_23] : memref<16384xi32, #tpu.memory_space<vmem>> -> memref<128xi32, #tpu.memory_space<vmem>>
    %dma_start3A_28 = arith.constant 0 : i32
    %dma_start3A_29 = arith.constant 0 : i32
    %dma_start3A_30 = tpu.memref_slice %arg5[%dma_start3A_28, %dma_start3A_29] : memref<1000000x128xf32, #tpu.memory_space<hbm>> -> memref<1000000x128xf32, #tpu.memory_space<hbm>>
    tpu.enqueue_indirect_dma source(%dma_start3A_30 : memref<1000000x128xf32, #tpu.memory_space<hbm>>) target(%dma_start3A_26 : memref<128x128xf32, #tpu.memory_space<vmem>>) offsets(%dma_start3A_27 : memref<128xi32, #tpu.memory_space<vmem>>) semaphore(%arg16 : memref<!tpu.dma_semaphore, #tpu.memory_space<semaphore_mem>>)
    %add3A_31 = arith.constant 384 : i32
    %add3A_32 = arith.addi %mul3A_4, %add3A_31 : i32
    %dma_start3A_33 = arith.constant 384 : i32
    %dma_start3A_34 = arith.constant 0 : i32
    %dma_start3A_35 = tpu.memref_slice %arg11[%dma_start3A_33, %dma_start3A_34] : memref<512x128xf32, #tpu.memory_space<vmem>> -> memref<128x128xf32, #tpu.memory_space<vmem>>
    %dma_start3A_36 = tpu.memref_slice %arg9[%add3A_32] : memref<16384xi32, #tpu.memory_space<vmem>> -> memref<128xi32, #tpu.memory_space<vmem>>
    %dma_start3A_37 = arith.constant 0 : i32
    %dma_start3A_38 = arith.constant 0 : i32
    %dma_start3A_39 = tpu.memref_slice %arg5[%dma_start3A_37, %dma_start3A_38] : memref<1000000x128xf32, #tpu.memory_space<hbm>> -> memref<1000000x128xf32, #tpu.memory_space<hbm>>
    tpu.enqueue_indirect_dma source(%dma_start3A_39 : memref<1000000x128xf32, #tpu.memory_space<hbm>>) target(%dma_start3A_35 : memref<128x128xf32, #tpu.memory_space<vmem>>) offsets(%dma_start3A_36 : memref<128xi32, #tpu.memory_space<vmem>>) semaphore(%arg16 : memref<!tpu.dma_semaphore, #tpu.memory_space<semaphore_mem>>)
    %iota3A = tpu.iota {dimensions = array<i32: 0>} : vector<16xi32>
    %add3A_40 = arith.constant 0 : i32
    %add3A_41 = arith.addi %mul3A_4, %add3A_40 : i32
    %add3A_42 = vector.broadcast %add3A_41 : i32 to vector<16xi32>
    %add3A_43 = arith.addi %add3A_42, %iota3A : vector<16xi32>
    %mul3A_44 = arith.constant 128 : i32
    %mul3A_45 = vector.broadcast %mul3A_44 : i32 to vector<16xi32>
    %mul3A_46 = arith.muli %add3A_43, %mul3A_45 : vector<16xi32>
    %get3A = arith.constant 0 : index
    %get3A_47 = tpu.vector_load %arg12[%get3A] {strides = array<i32>} : memref<512xi32, #tpu.memory_space<vmem>>, vector<16xi32>,
    %add3A_48 = arith.addi %mul3A_46, %get3A_47 : vector<16xi32>
    %swap3A = arith.constant 0 : index
    %swap3A_49 = tpu.vector_load %arg13[%swap3A] {strides = array<i32>} : memref<512xi32, #tpu.memory_space<vmem>>, vector<16xi32>,
    tpu.vector_store %arg13[%swap3A], %add3A_48 {strides = array<i32>} : memref<512xi32, #tpu.memory_space<vmem>>, vector<16xi32>,
    %add3A_50 = arith.constant 16 : i32
    %add3A_51 = arith.addi %mul3A_4, %add3A_50 : i32
    %add3A_52 = vector.broadcast %add3A_51 : i32 to vector<16xi32>
    %add3A_53 = arith.addi %add3A_52, %iota3A : vector<16xi32>
    %mul3A_54 = arith.constant 128 : i32
    %mul3A_55 = vector.broadcast %mul3A_54 : i32 to vector<16xi32>
    %mul3A_56 = arith.muli %add3A_53, %mul3A_55 : vector<16xi32>
    %get3A_57 = arith.constant 16 : index
    %get3A_58 = tpu.vector_load %arg12[%get3A_57] {strides = array<i32>} : memref<512xi32, #tpu.memory_space<vmem>>, vector<16xi32>,
    %add3A_59 = arith.addi %mul3A_56, %get3A_58 : vector<16xi32>
    %swap3A_60 = arith.constant 16 : index
    %swap3A_61 = tpu.vector_load %arg13[%swap3A_60] {strides = array<i32>} : memref<512xi32, #tpu.memory_space<vmem>>, vector<16xi32>,
    tpu.vector_store %arg13[%swap3A_60], %add3A_59 {strides = array<i32>} : memref<512xi32, #tpu.memory_space<vmem>>, vector<16xi32>,
    %add3A_62 = arith.constant 32 : i32
    %add3A_63 = arith.addi %mul3A_4, %add3A_62 : i32
    %add3A_64 = vector.broadcast %add3A_63 : i32 to vector<16xi32>
    %add3A_65 = arith.addi %add3A_64, %iota3A : vector<16xi32>
    %mul3A_66 = arith.constant 128 : i32
    %mul3A_67 = vector.broadcast %mul3A_66 : i32 to vector<16xi32>
    %mul3A_68 = arith.muli %add3A_65, %mul3A_67 : vector<16xi32>
    %get3A_69 = arith.constant 32 : index
    %get3A_70 = tpu.vector_load %arg12[%get3A_69] {strides = array<i32>} : memref<512xi32, #tpu.memory_space<vmem>>, vector<16xi32>,
    %add3A_71 = arith.addi %mul3A_68, %get3A_70 : vector<16xi32>
    %swap3A_72 = arith.constant 32 : index
    %swap3A_73 = tpu.vector_load %arg13[%swap3A_72] {strides = array<i32>} : memref<512xi32, #tpu.memory_space<vmem>>, vector<16xi32>,
    tpu.vector_store %arg13[%swap3A_72], %add3A_71 {strides = array<i32>} : memref<512xi32, #tpu.memory_space<vmem>>, vector<16xi32>,
    %add3A_74 = arith.constant 48 : i32
    %add3A_75 = arith.addi %mul3A_4, %add3A_74 : i32
    %add3A_76 = vector.broadcast %add3A_75 : i32 to vector<16xi32>
    %add3A_77 = arith.addi %add3A_76, %iota3A : vector<16xi32>
    %mul3A_78 = arith.constant 128 : i32
    %mul3A_79 = vector.broadcast %mul3A_78 : i32 to vector<16xi32>
    %mul3A_80 = arith.muli %add3A_77, %mul3A_79 : vector<16xi32>
    %get3A_81 = arith.constant 48 : index
    %get3A_82 = tpu.vector_load %arg12[%get3A_81] {strides = array<i32>} : memref<512xi32, #tpu.memory_space<vmem>>, vector<16xi32>,
    %add3A_83 = arith.addi %mul3A_80, %get3A_82 : vector<16xi32>
    %swap3A_84 = arith.constant 48 : index
    %swap3A_85 = tpu.vector_load %arg13[%swap3A_84] {strides = array<i32>} : memref<512xi32, #tpu.memory_space<vmem>>, vector<16xi32>,
    tpu.vector_store %arg13[%swap3A_84], %add3A_83 {strides = array<i32>} : memref<512xi32, #tpu.memory_space<vmem>>, vector<16xi32>,
    %add3A_86 = arith.constant 64 : i32
    %add3A_87 = arith.addi %mul3A_4, %add3A_86 : i32
    %add3A_88 = vector.broadcast %add3A_87 : i32 to vector<16xi32>
    %add3A_89 = arith.addi %add3A_88, %iota3A : vector<16xi32>
    %mul3A_90 = arith.constant 128 : i32
    %mul3A_91 = vector.broadcast %mul3A_90 : i32 to vector<16xi32>
    %mul3A_92 = arith.muli %add3A_89, %mul3A_91 : vector<16xi32>
    %get3A_93 = arith.constant 64 : index
    %get3A_94 = tpu.vector_load %arg12[%get3A_93] {strides = array<i32>} : memref<512xi32, #tpu.memory_space<vmem>>, vector<16xi32>,
    %add3A_95 = arith.addi %mul3A_92, %get3A_94 : vector<16xi32>
    %swap3A_96 = arith.constant 64 : index
    %swap3A_97 = tpu.vector_load %arg13[%swap3A_96] {strides = array<i32>} : memref<512xi32, #tpu.memory_space<vmem>>, vector<16xi32>,
    tpu.vector_store %arg13[%swap3A_96], %add3A_95 {strides = array<i32>} : memref<512xi32, #tpu.memory_space<vmem>>, vector<16xi32>,
    %add3A_98 = arith.constant 80 : i32
    %add3A_99 = arith.addi %mul3A_4, %add3A_98 : i32
    %add3A_100 = vector.broadcast %add3A_99 : i32 to vector<16xi32>
    %add3A_101 = arith.addi %add3A_100, %iota3A : vector<16xi32>
    %mul3A_102 = arith.constant 128 : i32
    %mul3A_103 = vector.broadcast %mul3A_102 : i32 to vector<16xi32>
    %mul3A_104 = arith.muli %add3A_101, %mul3A_103 : vector<16xi32>
    %get3A_105 = arith.constant 80 : index
    %get3A_106 = tpu.vector_load %arg12[%get3A_105] {strides = array<i32>} : memref<512xi32, #tpu.memory_space<vmem>>, vector<16xi32>,
    %add3A_107 = arith.addi %mul3A_104, %get3A_106 : vector<16xi32>
    %swap3A_108 = arith.constant 80 : index
    %swap3A_109 = tpu.vector_load %arg13[%swap3A_108] {strides = array<i32>} : memref<512xi32, #tpu.memory_space<vmem>>, vector<16xi32>,
    tpu.vector_store %arg13[%swap3A_108], %add3A_107 {strides = array<i32>} : memref<512xi32, #tpu.memory_space<vmem>>, vector<16xi32>,
    %add3A_110 = arith.constant 96 : i32
    %add3A_111 = arith.addi %mul3A_4, %add3A_110 : i32
    %add3A_112 = vector.broadcast %add3A_111 : i32 to vector<16xi32>
    %add3A_113 = arith.addi %add3A_112, %iota3A : vector<16xi32>
    %mul3A_114 = arith.constant 128 : i32
    %mul3A_115 = vector.broadcast %mul3A_114 : i32 to vector<16xi32>
    %mul3A_116 = arith.muli %add3A_113, %mul3A_115 : vector<16xi32>
    %get3A_117 = arith.constant 96 : index
    %get3A_118 = tpu.vector_load %arg12[%get3A_117] {strides = array<i32>} : memref<512xi32, #tpu.memory_space<vmem>>, vector<16xi32>,
    %add3A_119 = arith.addi %mul3A_116, %get3A_118 : vector<16xi32>
    %swap3A_120 = arith.constant 96 : index
    %swap3A_121 = tpu.vector_load %arg13[%swap3A_120] {strides = array<i32>} : memref<512xi32, #tpu.memory_space<vmem>>, vector<16xi32>,
    tpu.vector_store %arg13[%swap3A_120], %add3A_119 {strides = array<i32>} : memref<512xi32, #tpu.memory_space<vmem>>, vector<16xi32>,
    %add3A_122 = arith.constant 112 : i32
    %add3A_123 = arith.addi %mul3A_4, %add3A_122 : i32
    %add3A_124 = vector.broadcast %add3A_123 : i32 to vector<16xi32>
    %add3A_125 = arith.addi %add3A_124, %iota3A : vector<16xi32>
    %mul3A_126 = arith.constant 128 : i32
    %mul3A_127 = vector.broadcast %mul3A_126 : i32 to vector<16xi32>
    %mul3A_128 = arith.muli %add3A_125, %mul3A_127 : vector<16xi32>
    %get3A_129 = arith.constant 112 : index
    %get3A_130 = tpu.vector_load %arg12[%get3A_129] {strides = array<i32>} : memref<512xi32, #tpu.memory_space<vmem>>, vector<16xi32>,
    %add3A_131 = arith.addi %mul3A_128, %get3A_130 : vector<16xi32>
    %swap3A_132 = arith.constant 112 : index
    %swap3A_133 = tpu.vector_load %arg13[%swap3A_132] {strides = array<i32>} : memref<512xi32, #tpu.memory_space<vmem>>, vector<16xi32>,
    tpu.vector_store %arg13[%swap3A_132], %add3A_131 {strides = array<i32>} : memref<512xi32, #tpu.memory_space<vmem>>, vector<16xi32>,
    %add3A_134 = arith.constant 128 : i32
    %add3A_135 = arith.addi %mul3A_4, %add3A_134 : i32
    %add3A_136 = vector.broadcast %add3A_135 : i32 to vector<16xi32>
    %add3A_137 = arith.addi %add3A_136, %iota3A : vector<16xi32>
    %mul3A_138 = arith.constant 128 : i32
    %mul3A_139 = vector.broadcast %mul3A_138 : i32 to vector<16xi32>
    %mul3A_140 = arith.muli %add3A_137, %mul3A_139 : vector<16xi32>
    %get3A_141 = arith.constant 128 : index
    %get3A_142 = tpu.vector_load %arg12[%get3A_141] {strides = array<i32>} : memref<512xi32, #tpu.memory_space<vmem>>, vector<16xi32>,
    %add3A_143 = arith.addi %mul3A_140, %get3A_142 : vector<16xi32>
    %swap3A_144 = arith.constant 128 : index
    %swap3A_145 = tpu.vector_load %arg13[%swap3A_144] {strides = array<i32>} : memref<512xi32, #tpu.memory_space<vmem>>, vector<16xi32>,
    tpu.vector_store %arg13[%swap3A_144], %add3A_143 {strides = array<i32>} : memref<512xi32, #tpu.memory_space<vmem>>, vector<16xi32>,
    %add3A_146 = arith.constant 144 : i32
    %add3A_147 = arith.addi %mul3A_4, %add3A_146 : i32
    %add3A_148 = vector.broadcast %add3A_147 : i32 to vector<16xi32>
    %add3A_149 = arith.addi %add3A_148, %iota3A : vector<16xi32>
    %mul3A_150 = arith.constant 128 : i32
    %mul3A_151 = vector.broadcast %mul3A_150 : i32 to vector<16xi32>
    %mul3A_152 = arith.muli %add3A_149, %mul3A_151 : vector<16xi32>
    %get3A_153 = arith.constant 144 : index
    %get3A_154 = tpu.vector_load %arg12[%get3A_153] {strides = array<i32>} : memref<512xi32, #tpu.memory_space<vmem>>, vector<16xi32>,
    %add3A_155 = arith.addi %mul3A_152, %get3A_154 : vector<16xi32>
    %swap3A_156 = arith.constant 144 : index
    %swap3A_157 = tpu.vector_load %arg13[%swap3A_156] {strides = array<i32>} : memref<512xi32, #tpu.memory_space<vmem>>, vector<16xi32>,
    tpu.vector_store %arg13[%swap3A_156], %add3A_155 {strides = array<i32>} : memref<512xi32, #tpu.memory_space<vmem>>, vector<16xi32>,
    %add3A_158 = arith.constant 160 : i32
    %add3A_159 = arith.addi %mul3A_4, %add3A_158 : i32
    %add3A_160 = vector.broadcast %add3A_159 : i32 to vector<16xi32>
    %add3A_161 = arith.addi %add3A_160, %iota3A : vector<16xi32>
    %mul3A_162 = arith.constant 128 : i32
    %mul3A_163 = vector.broadcast %mul3A_162 : i32 to vector<16xi32>
    %mul3A_164 = arith.muli %add3A_161, %mul3A_163 : vector<16xi32>
    %get3A_165 = arith.constant 160 : index
    %get3A_166 = tpu.vector_load %arg12[%get3A_165] {strides = array<i32>} : memref<512xi32, #tpu.memory_space<vmem>>, vector<16xi32>,
    %add3A_167 = arith.addi %mul3A_164, %get3A_166 : vector<16xi32>
    %swap3A_168 = arith.constant 160 : index
    %swap3A_169 = tpu.vector_load %arg13[%swap3A_168] {strides = array<i32>} : memref<512xi32, #tpu.memory_space<vmem>>, vector<16xi32>,
    tpu.vector_store %arg13[%swap3A_168], %add3A_167 {strides = array<i32>} : memref<512xi32, #tpu.memory_space<vmem>>, vector<16xi32>,
    %add3A_170 = arith.constant 176 : i32
    %add3A_171 = arith.addi %mul3A_4, %add3A_170 : i32
    %add3A_172 = vector.broadcast %add3A_171 : i32 to vector<16xi32>
    %add3A_173 = arith.addi %add3A_172, %iota3A : vector<16xi32>
    %mul3A_174 = arith.constant 128 : i32
    %mul3A_175 = vector.broadcast %mul3A_174 : i32 to vector<16xi32>
    %mul3A_176 = arith.muli %add3A_173, %mul3A_175 : vector<16xi32>
    %get3A_177 = arith.constant 176 : index
    %get3A_178 = tpu.vector_load %arg12[%get3A_177] {strides = array<i32>} : memref<512xi32, #tpu.memory_space<vmem>>, vector<16xi32>,
    %add3A_179 = arith.addi %mul3A_176, %get3A_178 : vector<16xi32>
    %swap3A_180 = arith.constant 176 : index
    %swap3A_181 = tpu.vector_load %arg13[%swap3A_180] {strides = array<i32>} : memref<512xi32, #tpu.memory_space<vmem>>, vector<16xi32>,
    tpu.vector_store %arg13[%swap3A_180], %add3A_179 {strides = array<i32>} : memref<512xi32, #tpu.memory_space<vmem>>, vector<16xi32>,
    %add3A_182 = arith.constant 192 : i32
    %add3A_183 = arith.addi %mul3A_4, %add3A_182 : i32
    %add3A_184 = vector.broadcast %add3A_183 : i32 to vector<16xi32>
    %add3A_185 = arith.addi %add3A_184, %iota3A : vector<16xi32>
    %mul3A_186 = arith.constant 128 : i32
    %mul3A_187 = vector.broadcast %mul3A_186 : i32 to vector<16xi32>
    %mul3A_188 = arith.muli %add3A_185, %mul3A_187 : vector<16xi32>
    %get3A_189 = arith.constant 192 : index
    %get3A_190 = tpu.vector_load %arg12[%get3A_189] {strides = array<i32>} : memref<512xi32, #tpu.memory_space<vmem>>, vector<16xi32>,
    %add3A_191 = arith.addi %mul3A_188, %get3A_190 : vector<16xi32>
    %swap3A_192 = arith.constant 192 : index
    %swap3A_193 = tpu.vector_load %arg13[%swap3A_192] {strides = array<i32>} : memref<512xi32, #tpu.memory_space<vmem>>, vector<16xi32>,
    tpu.vector_store %arg13[%swap3A_192], %add3A_191 {strides = array<i32>} : memref<512xi32, #tpu.memory_space<vmem>>, vector<16xi32>,
    %add3A_194 = arith.constant 208 : i32
    %add3A_195 = arith.addi %mul3A_4, %add3A_194 : i32
    %add3A_196 = vector.broadcast %add3A_195 : i32 to vector<16xi32>
    %add3A_197 = arith.addi %add3A_196, %iota3A : vector<16xi32>
    %mul3A_198 = arith.constant 128 : i32
    %mul3A_199 = vector.broadcast %mul3A_198 : i32 to vector<16xi32>
    %mul3A_200 = arith.muli %add3A_197, %mul3A_199 : vector<16xi32>
    %get3A_201 = arith.constant 208 : index
    %get3A_202 = tpu.vector_load %arg12[%get3A_201] {strides = array<i32>} : memref<512xi32, #tpu.memory_space<vmem>>, vector<16xi32>,
    %add3A_203 = arith.addi %mul3A_200, %get3A_202 : vector<16xi32>
    %swap3A_204 = arith.constant 208 : index
    %swap3A_205 = tpu.vector_load %arg13[%swap3A_204] {strides = array<i32>} : memref<512xi32, #tpu.memory_space<vmem>>, vector<16xi32>,
    tpu.vector_store %arg13[%swap3A_204], %add3A_203 {strides = array<i32>} : memref<512xi32, #tpu.memory_space<vmem>>, vector<16xi32>,
    %add3A_206 = arith.constant 224 : i32
    %add3A_207 = arith.addi %mul3A_4, %add3A_206 : i32
    %add3A_208 = vector.broadcast %add3A_207 : i32 to vector<16xi32>
    %add3A_209 = arith.addi %add3A_208, %iota3A : vector<16xi32>
    %mul3A_210 = arith.constant 128 : i32
    %mul3A_211 = vector.broadcast %mul3A_210 : i32 to vector<16xi32>
    %mul3A_212 = arith.muli %add3A_209, %mul3A_211 : vector<16xi32>
    %get3A_213 = arith.constant 224 : index
    %get3A_214 = tpu.vector_load %arg12[%get3A_213] {strides = array<i32>} : memref<512xi32, #tpu.memory_space<vmem>>, vector<16xi32>,
    %add3A_215 = arith.addi %mul3A_212, %get3A_214 : vector<16xi32>
    %swap3A_216 = arith.constant 224 : index
    %swap3A_217 = tpu.vector_load %arg13[%swap3A_216] {strides = array<i32>} : memref<512xi32, #tpu.memory_space<vmem>>, vector<16xi32>,
    tpu.vector_store %arg13[%swap3A_216], %add3A_215 {strides = array<i32>} : memref<512xi32, #tpu.memory_space<vmem>>, vector<16xi32>,
    %add3A_218 = arith.constant 240 : i32
    %add3A_219 = arith.addi %mul3A_4, %add3A_218 : i32
    %add3A_220 = vector.broadcast %add3A_219 : i32 to vector<16xi32>
    %add3A_221 = arith.addi %add3A_220, %iota3A : vector<16xi32>
    %mul3A_222 = arith.constant 128 : i32
    %mul3A_223 = vector.broadcast %mul3A_222 : i32 to vector<16xi32>
    %mul3A_224 = arith.muli %add3A_221, %mul3A_223 : vector<16xi32>
    %get3A_225 = arith.constant 240 : index
    %get3A_226 = tpu.vector_load %arg12[%get3A_225] {strides = array<i32>} : memref<512xi32, #tpu.memory_space<vmem>>, vector<16xi32>,
    %add3A_227 = arith.addi %mul3A_224, %get3A_226 : vector<16xi32>
    %swap3A_228 = arith.constant 240 : index
    %swap3A_229 = tpu.vector_load %arg13[%swap3A_228] {strides = array<i32>} : memref<512xi32, #tpu.memory_space<vmem>>, vector<16xi32>,
    tpu.vector_store %arg13[%swap3A_228], %add3A_227 {strides = array<i32>} : memref<512xi32, #tpu.memory_space<vmem>>, vector<16xi32>,
    %add3A_230 = arith.constant 256 : i32
    %add3A_231 = arith.addi %mul3A_4, %add3A_230 : i32
    %add3A_232 = vector.broadcast %add3A_231 : i32 to vector<16xi32>
    %add3A_233 = arith.addi %add3A_232, %iota3A : vector<16xi32>
    %mul3A_234 = arith.constant 128 : i32
    %mul3A_235 = vector.broadcast %mul3A_234 : i32 to vector<16xi32>
    %mul3A_236 = arith.muli %add3A_233, %mul3A_235 : vector<16xi32>
    %get3A_237 = arith.constant 256 : index
    %get3A_238 = tpu.vector_load %arg12[%get3A_237] {strides = array<i32>} : memref<512xi32, #tpu.memory_space<vmem>>, vector<16xi32>,
    %add3A_239 = arith.addi %mul3A_236, %get3A_238 : vector<16xi32>
    %swap3A_240 = arith.constant 256 : index
    %swap3A_241 = tpu.vector_load %arg13[%swap3A_240] {strides = array<i32>} : memref<512xi32, #tpu.memory_space<vmem>>, vector<16xi32>,
    tpu.vector_store %arg13[%swap3A_240], %add3A_239 {strides = array<i32>} : memref<512xi32, #tpu.memory_space<vmem>>, vector<16xi32>,
    %add3A_242 = arith.constant 272 : i32
    %add3A_243 = arith.addi %mul3A_4, %add3A_242 : i32
    %add3A_244 = vector.broadcast %add3A_243 : i32 to vector<16xi32>
    %add3A_245 = arith.addi %add3A_244, %iota3A : vector<16xi32>
    %mul3A_246 = arith.constant 128 : i32
    %mul3A_247 = vector.broadcast %mul3A_246 : i32 to vector<16xi32>
    %mul3A_248 = arith.muli %add3A_245, %mul3A_247 : vector<16xi32>
    %get3A_249 = arith.constant 272 : index
    %get3A_250 = tpu.vector_load %arg12[%get3A_249] {strides = array<i32>} : memref<512xi32, #tpu.memory_space<vmem>>, vector<16xi32>,
    %add3A_251 = arith.addi %mul3A_248, %get3A_250 : vector<16xi32>
    %swap3A_252 = arith.constant 272 : index
    %swap3A_253 = tpu.vector_load %arg13[%swap3A_252] {strides = array<i32>} : memref<512xi32, #tpu.memory_space<vmem>>, vector<16xi32>,
    tpu.vector_store %arg13[%swap3A_252], %add3A_251 {strides = array<i32>} : memref<512xi32, #tpu.memory_space<vmem>>, vector<16xi32>,
    %add3A_254 = arith.constant 288 : i32
    %add3A_255 = arith.addi %mul3A_4, %add3A_254 : i32
    %add3A_256 = vector.broadcast %add3A_255 : i32 to vector<16xi32>
    %add3A_257 = arith.addi %add3A_256, %iota3A : vector<16xi32>
    %mul3A_258 = arith.constant 128 : i32
    %mul3A_259 = vector.broadcast %mul3A_258 : i32 to vector<16xi32>
    %mul3A_260 = arith.muli %add3A_257, %mul3A_259 : vector<16xi32>
    %get3A_261 = arith.constant 288 : index
    %get3A_262 = tpu.vector_load %arg12[%get3A_261] {strides = array<i32>} : memref<512xi32, #tpu.memory_space<vmem>>, vector<16xi32>,
    %add3A_263 = arith.addi %mul3A_260, %get3A_262 : vector<16xi32>
    %swap3A_264 = arith.constant 288 : index
    %swap3A_265 = tpu.vector_load %arg13[%swap3A_264] {strides = array<i32>} : memref<512xi32, #tpu.memory_space<vmem>>, vector<16xi32>,
    tpu.vector_store %arg13[%swap3A_264], %add3A_263 {strides = array<i32>} : memref<512xi32, #tpu.memory_space<vmem>>, vector<16xi32>,
    %add3A_266 = arith.constant 304 : i32
    %add3A_267 = arith.addi %mul3A_4, %add3A_266 : i32
    %add3A_268 = vector.broadcast %add3A_267 : i32 to vector<16xi32>
    %add3A_269 = arith.addi %add3A_268, %iota3A : vector<16xi32>
    %mul3A_270 = arith.constant 128 : i32
    %mul3A_271 = vector.broadcast %mul3A_270 : i32 to vector<16xi32>
    %mul3A_272 = arith.muli %add3A_269, %mul3A_271 : vector<16xi32>
    %get3A_273 = arith.constant 304 : index
    %get3A_274 = tpu.vector_load %arg12[%get3A_273] {strides = array<i32>} : memref<512xi32, #tpu.memory_space<vmem>>, vector<16xi32>,
    %add3A_275 = arith.addi %mul3A_272, %get3A_274 : vector<16xi32>
    %swap3A_276 = arith.constant 304 : index
    %swap3A_277 = tpu.vector_load %arg13[%swap3A_276] {strides = array<i32>} : memref<512xi32, #tpu.memory_space<vmem>>, vector<16xi32>,
    tpu.vector_store %arg13[%swap3A_276], %add3A_275 {strides = array<i32>} : memref<512xi32, #tpu.memory_space<vmem>>, vector<16xi32>,
    %add3A_278 = arith.constant 320 : i32
    %add3A_279 = arith.addi %mul3A_4, %add3A_278 : i32
    %add3A_280 = vector.broadcast %add3A_279 : i32 to vector<16xi32>
    %add3A_281 = arith.addi %add3A_280, %iota3A : vector<16xi32>
    %mul3A_282 = arith.constant 128 : i32
    %mul3A_283 = vector.broadcast %mul3A_282 : i32 to vector<16xi32>
    %mul3A_284 = arith.muli %add3A_281, %mul3A_283 : vector<16xi32>
    %get3A_285 = arith.constant 320 : index
    %get3A_286 = tpu.vector_load %arg12[%get3A_285] {strides = array<i32>} : memref<512xi32, #tpu.memory_space<vmem>>, vector<16xi32>,
    %add3A_287 = arith.addi %mul3A_284, %get3A_286 : vector<16xi32>
    %swap3A_288 = arith.constant 320 : index
    %swap3A_289 = tpu.vector_load %arg13[%swap3A_288] {strides = array<i32>} : memref<512xi32, #tpu.memory_space<vmem>>, vector<16xi32>,
    tpu.vector_store %arg13[%swap3A_288], %add3A_287 {strides = array<i32>} : memref<512xi32, #tpu.memory_space<vmem>>, vector<16xi32>,
    %add3A_290 = arith.constant 336 : i32
    %add3A_291 = arith.addi %mul3A_4, %add3A_290 : i32
    %add3A_292 = vector.broadcast %add3A_291 : i32 to vector<16xi32>
    %add3A_293 = arith.addi %add3A_292, %iota3A : vector<16xi32>
    %mul3A_294 = arith.constant 128 : i32
    %mul3A_295 = vector.broadcast %mul3A_294 : i32 to vector<16xi32>
    %mul3A_296 = arith.muli %add3A_293, %mul3A_295 : vector<16xi32>
    %get3A_297 = arith.constant 336 : index
    %get3A_298 = tpu.vector_load %arg12[%get3A_297] {strides = array<i32>} : memref<512xi32, #tpu.memory_space<vmem>>, vector<16xi32>,
    %add3A_299 = arith.addi %mul3A_296, %get3A_298 : vector<16xi32>
    %swap3A_300 = arith.constant 336 : index
    %swap3A_301 = tpu.vector_load %arg13[%swap3A_300] {strides = array<i32>} : memref<512xi32, #tpu.memory_space<vmem>>, vector<16xi32>,
    tpu.vector_store %arg13[%swap3A_300], %add3A_299 {strides = array<i32>} : memref<512xi32, #tpu.memory_space<vmem>>, vector<16xi32>,
    %add3A_302 = arith.constant 352 : i32
    %add3A_303 = arith.addi %mul3A_4, %add3A_302 : i32
    %add3A_304 = vector.broadcast %add3A_303 : i32 to vector<16xi32>
    %add3A_305 = arith.addi %add3A_304, %iota3A : vector<16xi32>
    %mul3A_306 = arith.constant 128 : i32
    %mul3A_307 = vector.broadcast %mul3A_306 : i32 to vector<16xi32>
    %mul3A_308 = arith.muli %add3A_305, %mul3A_307 : vector<16xi32>
    %get3A_309 = arith.constant 352 : index
    %get3A_310 = tpu.vector_load %arg12[%get3A_309] {strides = array<i32>} : memref<512xi32, #tpu.memory_space<vmem>>, vector<16xi32>,
    %add3A_311 = arith.addi %mul3A_308, %get3A_310 : vector<16xi32>
    %swap3A_312 = arith.constant 352 : index
    %swap3A_313 = tpu.vector_load %arg13[%swap3A_312] {strides = array<i32>} : memref<512xi32, #tpu.memory_space<vmem>>, vector<16xi32>,
    tpu.vector_store %arg13[%swap3A_312], %add3A_311 {strides = array<i32>} : memref<512xi32, #tpu.memory_space<vmem>>, vector<16xi32>,
    %add3A_314 = arith.constant 368 : i32
    %add3A_315 = arith.addi %mul3A_4, %add3A_314 : i32
    %add3A_316 = vector.broadcast %add3A_315 : i32 to vector<16xi32>
    %add3A_317 = arith.addi %add3A_316, %iota3A : vector<16xi32>
    %mul3A_318 = arith.constant 128 : i32
    %mul3A_319 = vector.broadcast %mul3A_318 : i32 to vector<16xi32>
    %mul3A_320 = arith.muli %add3A_317, %mul3A_319 : vector<16xi32>
    %get3A_321 = arith.constant 368 : index
    %get3A_322 = tpu.vector_load %arg12[%get3A_321] {strides = array<i32>} : memref<512xi32, #tpu.memory_space<vmem>>, vector<16xi32>,
    %add3A_323 = arith.addi %mul3A_320, %get3A_322 : vector<16xi32>
    %swap3A_324 = arith.constant 368 : index
    %swap3A_325 = tpu.vector_load %arg13[%swap3A_324] {strides = array<i32>} : memref<512xi32, #tpu.memory_space<vmem>>, vector<16xi32>,
    tpu.vector_store %arg13[%swap3A_324], %add3A_323 {strides = array<i32>} : memref<512xi32, #tpu.memory_space<vmem>>, vector<16xi32>,
    %add3A_326 = arith.constant 384 : i32
    %add3A_327 = arith.addi %mul3A_4, %add3A_326 : i32
    %add3A_328 = vector.broadcast %add3A_327 : i32 to vector<16xi32>
    %add3A_329 = arith.addi %add3A_328, %iota3A : vector<16xi32>
    %mul3A_330 = arith.constant 128 : i32
    %mul3A_331 = vector.broadcast %mul3A_330 : i32 to vector<16xi32>
    %mul3A_332 = arith.muli %add3A_329, %mul3A_331 : vector<16xi32>
    %get3A_333 = arith.constant 384 : index
    %get3A_334 = tpu.vector_load %arg12[%get3A_333] {strides = array<i32>} : memref<512xi32, #tpu.memory_space<vmem>>, vector<16xi32>,
    %add3A_335 = arith.addi %mul3A_332, %get3A_334 : vector<16xi32>
    %swap3A_336 = arith.constant 384 : index
    %swap3A_337 = tpu.vector_load %arg13[%swap3A_336] {strides = array<i32>} : memref<512xi32, #tpu.memory_space<vmem>>, vector<16xi32>,
    tpu.vector_store %arg13[%swap3A_336], %add3A_335 {strides = array<i32>} : memref<512xi32, #tpu.memory_space<vmem>>, vector<16xi32>,
    %add3A_338 = arith.constant 400 : i32
    %add3A_339 = arith.addi %mul3A_4, %add3A_338 : i32
    %add3A_340 = vector.broadcast %add3A_339 : i32 to vector<16xi32>
    %add3A_341 = arith.addi %add3A_340, %iota3A : vector<16xi32>
    %mul3A_342 = arith.constant 128 : i32
    %mul3A_343 = vector.broadcast %mul3A_342 : i32 to vector<16xi32>
    %mul3A_344 = arith.muli %add3A_341, %mul3A_343 : vector<16xi32>
    %get3A_345 = arith.constant 400 : index
    %get3A_346 = tpu.vector_load %arg12[%get3A_345] {strides = array<i32>} : memref<512xi32, #tpu.memory_space<vmem>>, vector<16xi32>,
    %add3A_347 = arith.addi %mul3A_344, %get3A_346 : vector<16xi32>
    %swap3A_348 = arith.constant 400 : index
    %swap3A_349 = tpu.vector_load %arg13[%swap3A_348] {strides = array<i32>} : memref<512xi32, #tpu.memory_space<vmem>>, vector<16xi32>,
    tpu.vector_store %arg13[%swap3A_348], %add3A_347 {strides = array<i32>} : memref<512xi32, #tpu.memory_space<vmem>>, vector<16xi32>,
    %add3A_350 = arith.constant 416 : i32
    %add3A_351 = arith.addi %mul3A_4, %add3A_350 : i32
    %add3A_352 = vector.broadcast %add3A_351 : i32 to vector<16xi32>
    %add3A_353 = arith.addi %add3A_352, %iota3A : vector<16xi32>
    %mul3A_354 = arith.constant 128 : i32
    %mul3A_355 = vector.broadcast %mul3A_354 : i32 to vector<16xi32>
    %mul3A_356 = arith.muli %add3A_353, %mul3A_355 : vector<16xi32>
    %get3A_357 = arith.constant 416 : index
    %get3A_358 = tpu.vector_load %arg12[%get3A_357] {strides = array<i32>} : memref<512xi32, #tpu.memory_space<vmem>>, vector<16xi32>,
    %add3A_359 = arith.addi %mul3A_356, %get3A_358 : vector<16xi32>
    %swap3A_360 = arith.constant 416 : index
    %swap3A_361 = tpu.vector_load %arg13[%swap3A_360] {strides = array<i32>} : memref<512xi32, #tpu.memory_space<vmem>>, vector<16xi32>,
    tpu.vector_store %arg13[%swap3A_360], %add3A_359 {strides = array<i32>} : memref<512xi32, #tpu.memory_space<vmem>>, vector<16xi32>,
    %add3A_362 = arith.constant 432 : i32
    %add3A_363 = arith.addi %mul3A_4, %add3A_362 : i32
    %add3A_364 = vector.broadcast %add3A_363 : i32 to vector<16xi32>
    %add3A_365 = arith.addi %add3A_364, %iota3A : vector<16xi32>
    %mul3A_366 = arith.constant 128 : i32
    %mul3A_367 = vector.broadcast %mul3A_366 : i32 to vector<16xi32>
    %mul3A_368 = arith.muli %add3A_365, %mul3A_367 : vector<16xi32>
    %get3A_369 = arith.constant 432 : index
    %get3A_370 = tpu.vector_load %arg12[%get3A_369] {strides = array<i32>} : memref<512xi32, #tpu.memory_space<vmem>>, vector<16xi32>,
    %add3A_371 = arith.addi %mul3A_368, %get3A_370 : vector<16xi32>
    %swap3A_372 = arith.constant 432 : index
    %swap3A_373 = tpu.vector_load %arg13[%swap3A_372] {strides = array<i32>} : memref<512xi32, #tpu.memory_space<vmem>>, vector<16xi32>,
    tpu.vector_store %arg13[%swap3A_372], %add3A_371 {strides = array<i32>} : memref<512xi32, #tpu.memory_space<vmem>>, vector<16xi32>,
    %add3A_374 = arith.constant 448 : i32
    %add3A_375 = arith.addi %mul3A_4, %add3A_374 : i32
    %add3A_376 = vector.broadcast %add3A_375 : i32 to vector<16xi32>
    %add3A_377 = arith.addi %add3A_376, %iota3A : vector<16xi32>
    %mul3A_378 = arith.constant 128 : i32
    %mul3A_379 = vector.broadcast %mul3A_378 : i32 to vector<16xi32>
    %mul3A_380 = arith.muli %add3A_377, %mul3A_379 : vector<16xi32>
    %get3A_381 = arith.constant 448 : index
    %get3A_382 = tpu.vector_load %arg12[%get3A_381] {strides = array<i32>} : memref<512xi32, #tpu.memory_space<vmem>>, vector<16xi32>,
    %add3A_383 = arith.addi %mul3A_380, %get3A_382 : vector<16xi32>
    %swap3A_384 = arith.constant 448 : index
    %swap3A_385 = tpu.vector_load %arg13[%swap3A_384] {strides = array<i32>} : memref<512xi32, #tpu.memory_space<vmem>>, vector<16xi32>,
    tpu.vector_store %arg13[%swap3A_384], %add3A_383 {strides = array<i32>} : memref<512xi32, #tpu.memory_space<vmem>>, vector<16xi32>,
    %add3A_386 = arith.constant 464 : i32
    %add3A_387 = arith.addi %mul3A_4, %add3A_386 : i32
    %add3A_388 = vector.broadcast %add3A_387 : i32 to vector<16xi32>
    %add3A_389 = arith.addi %add3A_388, %iota3A : vector<16xi32>
    %mul3A_390 = arith.constant 128 : i32
    %mul3A_391 = vector.broadcast %mul3A_390 : i32 to vector<16xi32>
    %mul3A_392 = arith.muli %add3A_389, %mul3A_391 : vector<16xi32>
    %get3A_393 = arith.constant 464 : index
    %get3A_394 = tpu.vector_load %arg12[%get3A_393] {strides = array<i32>} : memref<512xi32, #tpu.memory_space<vmem>>, vector<16xi32>,
    %add3A_395 = arith.addi %mul3A_392, %get3A_394 : vector<16xi32>
    %swap3A_396 = arith.constant 464 : index
    %swap3A_397 = tpu.vector_load %arg13[%swap3A_396] {strides = array<i32>} : memref<512xi32, #tpu.memory_space<vmem>>, vector<16xi32>,
    tpu.vector_store %arg13[%swap3A_396], %add3A_395 {strides = array<i32>} : memref<512xi32, #tpu.memory_space<vmem>>, vector<16xi32>,
    %add3A_398 = arith.constant 480 : i32
    %add3A_399 = arith.addi %mul3A_4, %add3A_398 : i32
    %add3A_400 = vector.broadcast %add3A_399 : i32 to vector<16xi32>
    %add3A_401 = arith.addi %add3A_400, %iota3A : vector<16xi32>
    %mul3A_402 = arith.constant 128 : i32
    %mul3A_403 = vector.broadcast %mul3A_402 : i32 to vector<16xi32>
    %mul3A_404 = arith.muli %add3A_401, %mul3A_403 : vector<16xi32>
    %get3A_405 = arith.constant 480 : index
    %get3A_406 = tpu.vector_load %arg12[%get3A_405] {strides = array<i32>} : memref<512xi32, #tpu.memory_space<vmem>>, vector<16xi32>,
    %add3A_407 = arith.addi %mul3A_404, %get3A_406 : vector<16xi32>
    %swap3A_408 = arith.constant 480 : index
    %swap3A_409 = tpu.vector_load %arg13[%swap3A_408] {strides = array<i32>} : memref<512xi32, #tpu.memory_space<vmem>>, vector<16xi32>,
    tpu.vector_store %arg13[%swap3A_408], %add3A_407 {strides = array<i32>} : memref<512xi32, #tpu.memory_space<vmem>>, vector<16xi32>,
    %add3A_410 = arith.constant 496 : i32
    %add3A_411 = arith.addi %mul3A_4, %add3A_410 : i32
    %add3A_412 = vector.broadcast %add3A_411 : i32 to vector<16xi32>
    %add3A_413 = arith.addi %add3A_412, %iota3A : vector<16xi32>
    %mul3A_414 = arith.constant 128 : i32
    %mul3A_415 = vector.broadcast %mul3A_414 : i32 to vector<16xi32>
    %mul3A_416 = arith.muli %add3A_413, %mul3A_415 : vector<16xi32>
    %get3A_417 = arith.constant 496 : index
    %get3A_418 = tpu.vector_load %arg12[%get3A_417] {strides = array<i32>} : memref<512xi32, #tpu.memory_space<vmem>>, vector<16xi32>,
    %add3A_419 = arith.addi %mul3A_416, %get3A_418 : vector<16xi32>
    %swap3A_420 = arith.constant 496 : index
    %swap3A_421 = tpu.vector_load %arg13[%swap3A_420] {strides = array<i32>} : memref<512xi32, #tpu.memory_space<vmem>>, vector<16xi32>,
    tpu.vector_store %arg13[%swap3A_420], %add3A_419 {strides = array<i32>} : memref<512xi32, #tpu.memory_space<vmem>>, vector<16xi32>,
    %dma_start3A_422 = arith.constant 0 : i32
    %dma_start3A_423 = tpu.memref_slice %arg14[%dma_start3A_422] : memref<512xf32, #tpu.memory_space<vmem>> -> memref<128xf32, #tpu.memory_space<vmem>>
    %dma_start3A_424 = arith.constant 0 : i32
    %dma_start3A_425 = tpu.memref_slice %arg13[%dma_start3A_424] : memref<512xi32, #tpu.memory_space<vmem>> -> memref<128xi32, #tpu.memory_space<vmem>>
    %dma_start3A_426 = arith.constant 0 : i32
    %dma_start3A_427 = tpu.memref_slice %arg4[%dma_start3A_426] : memref<2097152xf32, #tpu.memory_space<hbm>> -> memref<2097152xf32, #tpu.memory_space<hbm>>
    tpu.enqueue_indirect_dma source(%dma_start3A_427 : memref<2097152xf32, #tpu.memory_space<hbm>>) target(%dma_start3A_423 : memref<128xf32, #tpu.memory_space<vmem>>) offsets(%dma_start3A_425 : memref<128xi32, #tpu.memory_space<vmem>>) semaphore(%arg18 : memref<!tpu.dma_semaphore, #tpu.memory_space<semaphore_mem>>)
    %dma_start3A_428 = arith.constant 128 : i32
    %dma_start3A_429 = tpu.memref_slice %arg14[%dma_start3A_428] : memref<512xf32, #tpu.memory_space<vmem>> -> memref<128xf32, #tpu.memory_space<vmem>>
    %dma_start3A_430 = arith.constant 128 : i32
    %dma_start3A_431 = tpu.memref_slice %arg13[%dma_start3A_430] : memref<512xi32, #tpu.memory_space<vmem>> -> memref<128xi32, #tpu.memory_space<vmem>>
    %dma_start3A_432 = arith.constant 0 : i32
    %dma_start3A_433 = tpu.memref_slice %arg4[%dma_start3A_432] : memref<2097152xf32, #tpu.memory_space<hbm>> -> memref<2097152xf32, #tpu.memory_space<hbm>>
    tpu.enqueue_indirect_dma source(%dma_start3A_433 : memref<2097152xf32, #tpu.memory_space<hbm>>) target(%dma_start3A_429 : memref<128xf32, #tpu.memory_space<vmem>>) offsets(%dma_start3A_431 : memref<128xi32, #tpu.memory_space<vmem>>) semaphore(%arg18 : memref<!tpu.dma_semaphore, #tpu.memory_space<semaphore_mem>>)
    %dma_start3A_434 = arith.constant 256 : i32
    %dma_start3A_435 = tpu.memref_slice %arg14[%dma_start3A_434] : memref<512xf32, #tpu.memory_space<vmem>> -> memref<128xf32, #tpu.memory_space<vmem>>
    %dma_start3A_436 = arith.constant 256 : i32
    %dma_start3A_437 = tpu.memref_slice %arg13[%dma_start3A_436] : memref<512xi32, #tpu.memory_space<vmem>> -> memref<128xi32, #tpu.memory_space<vmem>>
    %dma_start3A_438 = arith.constant 0 : i32
    %dma_start3A_439 = tpu.memref_slice %arg4[%dma_start3A_438] : memref<2097152xf32, #tpu.memory_space<hbm>> -> memref<2097152xf32, #tpu.memory_space<hbm>>
    tpu.enqueue_indirect_dma source(%dma_start3A_439 : memref<2097152xf32, #tpu.memory_space<hbm>>) target(%dma_start3A_435 : memref<128xf32, #tpu.memory_space<vmem>>) offsets(%dma_start3A_437 : memref<128xi32, #tpu.memory_space<vmem>>) semaphore(%arg18 : memref<!tpu.dma_semaphore, #tpu.memory_space<semaphore_mem>>)
    %dma_start3A_440 = arith.constant 384 : i32
    %dma_start3A_441 = tpu.memref_slice %arg14[%dma_start3A_440] : memref<512xf32, #tpu.memory_space<vmem>> -> memref<128xf32, #tpu.memory_space<vmem>>
    %dma_start3A_442 = arith.constant 384 : i32
    %dma_start3A_443 = tpu.memref_slice %arg13[%dma_start3A_442] : memref<512xi32, #tpu.memory_space<vmem>> -> memref<128xi32, #tpu.memory_space<vmem>>
    %dma_start3A_444 = arith.constant 0 : i32
    %dma_start3A_445 = tpu.memref_slice %arg4[%dma_start3A_444] : memref<2097152xf32, #tpu.memory_space<hbm>> -> memref<2097152xf32, #tpu.memory_space<hbm>>
    tpu.enqueue_indirect_dma source(%dma_start3A_445 : memref<2097152xf32, #tpu.memory_space<hbm>>) target(%dma_start3A_441 : memref<128xf32, #tpu.memory_space<vmem>>) offsets(%dma_start3A_443 : memref<128xi32, #tpu.memory_space<vmem>>) semaphore(%arg18 : memref<!tpu.dma_semaphore, #tpu.memory_space<semaphore_mem>>)
    %scan3A = arith.constant 0 : i32
    %scan3A_446 = arith.constant 0 : i32
    %scan3A_447 = arith.constant 128 : i32
    %scan3A_448 = arith.addi %scan3A_446, %scan3A_447 : i32
    %scan3A_449 = arith.constant 1 : i32
    scf.for %scan3A_599 = %scan3A_446 to %scan3A_448 step %scan3A_449  : i32 {
      %mul3A_600 = arith.constant 8 : i32
      %mul3A_601 = arith.muli %scan3A_599, %mul3A_600 : i32
      %add3A_602 = arith.constant 0 : i32
      %add3A_603 = arith.addi %mul3A_601, %add3A_602 : i32
      %mul3A_604 = arith.constant 16 : i32
      %mul3A_605 = arith.muli %add3A_603, %mul3A_604 : i32
      %get3A_606 = arith.index_cast %mul3A_605 : i32 to index
      %get3A_607 = tpu.vector_load %arg9[%get3A_606] {strides = array<i32>} : memref<16384xi32, #tpu.memory_space<vmem>>, vector<16xi32>,
      %mul3A_608 = arith.constant 16 : i32
      %mul3A_609 = arith.muli %add3A_603, %mul3A_608 : i32
      %add3A_610 = vector.broadcast %mul3A_609 : i32 to vector<16xi32>
      %add3A_611 = arith.addi %add3A_610, %iota3A : vector<16xi32>
      %ge3A = vector.broadcast %mul3A_2 : i32 to vector<16xi32>
      %ge3A_612 = arith.cmpi sge, %get3A_607, %ge3A : vector<16xi32>
      %add3A_613 = arith.constant 31256 : i32
      %add3A_614 = arith.addi %mul3A_2, %add3A_613 : i32
      %lt3A = vector.broadcast %add3A_614 : i32 to vector<16xi32>
      %lt3A_615 = arith.cmpi slt, %get3A_607, %lt3A : vector<16xi32>
      %and3A = arith.andi %ge3A_612, %lt3A_615 : vector<16xi1>
      %sub3A = vector.broadcast %mul3A_2 : i32 to vector<16xi32>
      %sub3A_616 = arith.subi %get3A_607, %sub3A : vector<16xi32>
      tpu.vector_store_idx %arg10[%sub3A_616], %add3A_611 masked %and3A : memref<31256xi32, #tpu.memory_space<vmem>>[vector<16xi32>], vector<16xi32>, vector<16xi1>
      %mul3A_617 = arith.constant 8 : i32
      %mul3A_618 = arith.muli %scan3A_599, %mul3A_617 : i32
      %add3A_619 = arith.constant 1 : i32
      %add3A_620 = arith.addi %mul3A_618, %add3A_619 : i32
      %mul3A_621 = arith.constant 16 : i32
      %mul3A_622 = arith.muli %add3A_620, %mul3A_621 : i32
      %get3A_623 = arith.index_cast %mul3A_622 : i32 to index
      %get3A_624 = tpu.vector_load %arg9[%get3A_623] {strides = array<i32>} : memref<16384xi32, #tpu.memory_space<vmem>>, vector<16xi32>,
      %mul3A_625 = arith.constant 16 : i32
      %mul3A_626 = arith.muli %add3A_620, %mul3A_625 : i32
      %add3A_627 = vector.broadcast %mul3A_626 : i32 to vector<16xi32>
      %add3A_628 = arith.addi %add3A_627, %iota3A : vector<16xi32>
      %ge3A_629 = vector.broadcast %mul3A_2 : i32 to vector<16xi32>
      %ge3A_630 = arith.cmpi sge, %get3A_624, %ge3A_629 : vector<16xi32>
      %add3A_631 = arith.constant 31256 : i32
      %add3A_632 = arith.addi %mul3A_2, %add3A_631 : i32
      %lt3A_633 = vector.broadcast %add3A_632 : i32 to vector<16xi32>
      %lt3A_634 = arith.cmpi slt, %get3A_624, %lt3A_633 : vector<16xi32>
      %and3A_635 = arith.andi %ge3A_630, %lt3A_634 : vector<16xi1>
      %sub3A_636 = vector.broadcast %mul3A_2 : i32 to vector<16xi32>
      %sub3A_637 = arith.subi %get3A_624, %sub3A_636 : vector<16xi32>
      tpu.vector_store_idx %arg10[%sub3A_637], %add3A_628 masked %and3A_635 : memref<31256xi32, #tpu.memory_space<vmem>>[vector<16xi32>], vector<16xi32>, vector<16xi1>
      %mul3A_638 = arith.constant 8 : i32
      %mul3A_639 = arith.muli %scan3A_599, %mul3A_638 : i32
      %add3A_640 = arith.constant 2 : i32
      %add3A_641 = arith.addi %mul3A_639, %add3A_640 : i32
      %mul3A_642 = arith.constant 16 : i32
      %mul3A_643 = arith.muli %add3A_641, %mul3A_642 : i32
      %get3A_644 = arith.index_cast %mul3A_643 : i32 to index
      %get3A_645 = tpu.vector_load %arg9[%get3A_644] {strides = array<i32>} : memref<16384xi32, #tpu.memory_space<vmem>>, vector<16xi32>,
      %mul3A_646 = arith.constant 16 : i32
      %mul3A_647 = arith.muli %add3A_641, %mul3A_646 : i32
      %add3A_648 = vector.broadcast %mul3A_647 : i32 to vector<16xi32>
      %add3A_649 = arith.addi %add3A_648, %iota3A : vector<16xi32>
      %ge3A_650 = vector.broadcast %mul3A_2 : i32 to vector<16xi32>
      %ge3A_651 = arith.cmpi sge, %get3A_645, %ge3A_650 : vector<16xi32>
      %add3A_652 = arith.constant 31256 : i32
      %add3A_653 = arith.addi %mul3A_2, %add3A_652 : i32
      %lt3A_654 = vector.broadcast %add3A_653 : i32 to vector<16xi32>
      %lt3A_655 = arith.cmpi slt, %get3A_645, %lt3A_654 : vector<16xi32>
      %and3A_656 = arith.andi %ge3A_651, %lt3A_655 : vector<16xi1>
      %sub3A_657 = vector.broadcast %mul3A_2 : i32 to vector<16xi32>
      %sub3A_658 = arith.subi %get3A_645, %sub3A_657 : vector<16xi32>
      tpu.vector_store_idx %arg10[%sub3A_658], %add3A_649 masked %and3A_656 : memref<31256xi32, #tpu.memory_space<vmem>>[vector<16xi32>], vector<16xi32>, vector<16xi1>
      %mul3A_659 = arith.constant 8 : i32
      %mul3A_660 = arith.muli %scan3A_599, %mul3A_659 : i32
      %add3A_661 = arith.constant 3 : i32
      %add3A_662 = arith.addi %mul3A_660, %add3A_661 : i32
      %mul3A_663 = arith.constant 16 : i32
      %mul3A_664 = arith.muli %add3A_662, %mul3A_663 : i32
      %get3A_665 = arith.index_cast %mul3A_664 : i32 to index
      %get3A_666 = tpu.vector_load %arg9[%get3A_665] {strides = array<i32>} : memref<16384xi32, #tpu.memory_space<vmem>>, vector<16xi32>,
      %mul3A_667 = arith.constant 16 : i32
      %mul3A_668 = arith.muli %add3A_662, %mul3A_667 : i32
      %add3A_669 = vector.broadcast %mul3A_668 : i32 to vector<16xi32>
      %add3A_670 = arith.addi %add3A_669, %iota3A : vector<16xi32>
      %ge3A_671 = vector.broadcast %mul3A_2 : i32 to vector<16xi32>
      %ge3A_672 = arith.cmpi sge, %get3A_666, %ge3A_671 : vector<16xi32>
      %add3A_673 = arith.constant 31256 : i32
      %add3A_674 = arith.addi %mul3A_2, %add3A_673 : i32
      %lt3A_675 = vector.broadcast %add3A_674 : i32 to vector<16xi32>
      %lt3A_676 = arith.cmpi slt, %get3A_666, %lt3A_675 : vector<16xi32>
      %and3A_677 = arith.andi %ge3A_672, %lt3A_676 : vector<16xi1>
      %sub3A_678 = vector.broadcast %mul3A_2 : i32 to vector<16xi32>
      %sub3A_679 = arith.subi %get3A_666, %sub3A_678 : vector<16xi32>
      tpu.vector_store_idx %arg10[%sub3A_679], %add3A_670 masked %and3A_677 : memref<31256xi32, #tpu.memory_space<vmem>>[vector<16xi32>], vector<16xi32>, vector<16xi1>
      %mul3A_680 = arith.constant 8 : i32
      %mul3A_681 = arith.muli %scan3A_599, %mul3A_680 : i32
      %add3A_682 = arith.constant 4 : i32
      %add3A_683 = arith.addi %mul3A_681, %add3A_682 : i32
      %mul3A_684 = arith.constant 16 : i32
      %mul3A_685 = arith.muli %add3A_683, %mul3A_684 : i32
      %get3A_686 = arith.index_cast %mul3A_685 : i32 to index
      %get3A_687 = tpu.vector_load %arg9[%get3A_686] {strides = array<i32>} : memref<16384xi32, #tpu.memory_space<vmem>>, vector<16xi32>,
      %mul3A_688 = arith.constant 16 : i32
      %mul3A_689 = arith.muli %add3A_683, %mul3A_688 : i32
      %add3A_690 = vector.broadcast %mul3A_689 : i32 to vector<16xi32>
      %add3A_691 = arith.addi %add3A_690, %iota3A : vector<16xi32>
      %ge3A_692 = vector.broadcast %mul3A_2 : i32 to vector<16xi32>
      %ge3A_693 = arith.cmpi sge, %get3A_687, %ge3A_692 : vector<16xi32>
      %add3A_694 = arith.constant 31256 : i32
      %add3A_695 = arith.addi %mul3A_2, %add3A_694 : i32
      %lt3A_696 = vector.broadcast %add3A_695 : i32 to vector<16xi32>
      %lt3A_697 = arith.cmpi slt, %get3A_687, %lt3A_696 : vector<16xi32>
      %and3A_698 = arith.andi %ge3A_693, %lt3A_697 : vector<16xi1>
      %sub3A_699 = vector.broadcast %mul3A_2 : i32 to vector<16xi32>
      %sub3A_700 = arith.subi %get3A_687, %sub3A_699 : vector<16xi32>
      tpu.vector_store_idx %arg10[%sub3A_700], %add3A_691 masked %and3A_698 : memref<31256xi32, #tpu.memory_space<vmem>>[vector<16xi32>], vector<16xi32>, vector<16xi1>
      %mul3A_701 = arith.constant 8 : i32
      %mul3A_702 = arith.muli %scan3A_599, %mul3A_701 : i32
      %add3A_703 = arith.constant 5 : i32
      %add3A_704 = arith.addi %mul3A_702, %add3A_703 : i32
      %mul3A_705 = arith.constant 16 : i32
      %mul3A_706 = arith.muli %add3A_704, %mul3A_705 : i32
      %get3A_707 = arith.index_cast %mul3A_706 : i32 to index
      %get3A_708 = tpu.vector_load %arg9[%get3A_707] {strides = array<i32>} : memref<16384xi32, #tpu.memory_space<vmem>>, vector<16xi32>,
      %mul3A_709 = arith.constant 16 : i32
      %mul3A_710 = arith.muli %add3A_704, %mul3A_709 : i32
      %add3A_711 = vector.broadcast %mul3A_710 : i32 to vector<16xi32>
      %add3A_712 = arith.addi %add3A_711, %iota3A : vector<16xi32>
      %ge3A_713 = vector.broadcast %mul3A_2 : i32 to vector<16xi32>
      %ge3A_714 = arith.cmpi sge, %get3A_708, %ge3A_713 : vector<16xi32>
      %add3A_715 = arith.constant 31256 : i32
      %add3A_716 = arith.addi %mul3A_2, %add3A_715 : i32
      %lt3A_717 = vector.broadcast %add3A_716 : i32 to vector<16xi32>
      %lt3A_718 = arith.cmpi slt, %get3A_708, %lt3A_717 : vector<16xi32>
      %and3A_719 = arith.andi %ge3A_714, %lt3A_718 : vector<16xi1>
      %sub3A_720 = vector.broadcast %mul3A_2 : i32 to vector<16xi32>
      %sub3A_721 = arith.subi %get3A_708, %sub3A_720 : vector<16xi32>
      tpu.vector_store_idx %arg10[%sub3A_721], %add3A_712 masked %and3A_719 : memref<31256xi32, #tpu.memory_space<vmem>>[vector<16xi32>], vector<16xi32>, vector<16xi1>
      %mul3A_722 = arith.constant 8 : i32
      %mul3A_723 = arith.muli %scan3A_599, %mul3A_722 : i32
      %add3A_724 = arith.constant 6 : i32
      %add3A_725 = arith.addi %mul3A_723, %add3A_724 : i32
      %mul3A_726 = arith.constant 16 : i32
      %mul3A_727 = arith.muli %add3A_725, %mul3A_726 : i32
      %get3A_728 = arith.index_cast %mul3A_727 : i32 to index
      %get3A_729 = tpu.vector_load %arg9[%get3A_728] {strides = array<i32>} : memref<16384xi32, #tpu.memory_space<vmem>>, vector<16xi32>,
      %mul3A_730 = arith.constant 16 : i32
      %mul3A_731 = arith.muli %add3A_725, %mul3A_730 : i32
      %add3A_732 = vector.broadcast %mul3A_731 : i32 to vector<16xi32>
      %add3A_733 = arith.addi %add3A_732, %iota3A : vector<16xi32>
      %ge3A_734 = vector.broadcast %mul3A_2 : i32 to vector<16xi32>
      %ge3A_735 = arith.cmpi sge, %get3A_729, %ge3A_734 : vector<16xi32>
      %add3A_736 = arith.constant 31256 : i32
      %add3A_737 = arith.addi %mul3A_2, %add3A_736 : i32
      %lt3A_738 = vector.broadcast %add3A_737 : i32 to vector<16xi32>
      %lt3A_739 = arith.cmpi slt, %get3A_729, %lt3A_738 : vector<16xi32>
      %and3A_740 = arith.andi %ge3A_735, %lt3A_739 : vector<16xi1>
      %sub3A_741 = vector.broadcast %mul3A_2 : i32 to vector<16xi32>
      %sub3A_742 = arith.subi %get3A_729, %sub3A_741 : vector<16xi32>
      tpu.vector_store_idx %arg10[%sub3A_742], %add3A_733 masked %and3A_740 : memref<31256xi32, #tpu.memory_space<vmem>>[vector<16xi32>], vector<16xi32>, vector<16xi1>
      %mul3A_743 = arith.constant 8 : i32
      %mul3A_744 = arith.muli %scan3A_599, %mul3A_743 : i32
      %add3A_745 = arith.constant 7 : i32
      %add3A_746 = arith.addi %mul3A_744, %add3A_745 : i32
      %mul3A_747 = arith.constant 16 : i32
      %mul3A_748 = arith.muli %add3A_746, %mul3A_747 : i32
      %get3A_749 = arith.index_cast %mul3A_748 : i32 to index
      %get3A_750 = tpu.vector_load %arg9[%get3A_749] {strides = array<i32>} : memref<16384xi32, #tpu.memory_space<vmem>>, vector<16xi32>,
      %mul3A_751 = arith.constant 16 : i32
      %mul3A_752 = arith.muli %add3A_746, %mul3A_751 : i32
      %add3A_753 = vector.broadcast %mul3A_752 : i32 to vector<16xi32>
      %add3A_754 = arith.addi %add3A_753, %iota3A : vector<16xi32>
      %ge3A_755 = vector.broadcast %mul3A_2 : i32 to vector<16xi32>
      %ge3A_756 = arith.cmpi sge, %get3A_750, %ge3A_755 : vector<16xi32>
      %add3A_757 = arith.constant 31256 : i32
      %add3A_758 = arith.addi %mul3A_2, %add3A_757 : i32
      %lt3A_759 = vector.broadcast %add3A_758 : i32 to vector<16xi32>
      %lt3A_760 = arith.cmpi slt, %get3A_750, %lt3A_759 : vector<16xi32>
      %and3A_761 = arith.andi %ge3A_756, %lt3A_760 : vector<16xi1>
      %sub3A_762 = vector.broadcast %mul3A_2 : i32 to vector<16xi32>
      %sub3A_763 = arith.subi %get3A_750, %sub3A_762 : vector<16xi32>
      tpu.vector_store_idx %arg10[%sub3A_763], %add3A_754 masked %and3A_761 : memref<31256xi32, #tpu.memory_space<vmem>>[vector<16xi32>], vector<16xi32>, vector<16xi1>
    }
    %scan3A_450 = arith.constant 128 : i32
    "tpu.region"() ({
      %run_scoped3A = tpu.sem_alloc : memref<!tpu.dma_semaphore, #tpu.memory_space<semaphore_mem>>
      %dma_start3A_599 = tpu.memref_slice %arg6[%mul3A_2] : memref<1000192xi32, #tpu.memory_space<hbm>> -> memref<31256xi32, #tpu.memory_space<hbm>>
      %dma_start3A_600 = tpu.memref_slice %arg6[%mul3A_2] : memref<1000192xi32, #tpu.memory_space<hbm>> -> memref<31256xi32, #tpu.memory_space<hbm>>
      tpu.enqueue_dma source(%arg10 : memref<31256xi32, #tpu.memory_space<vmem>>) target(%dma_start3A_600 : memref<31256xi32, #tpu.memory_space<hbm>>) target_semaphore(%run_scoped3A : memref<!tpu.dma_semaphore, #tpu.memory_space<semaphore_mem>>)
      %dma_wait3A_601 = tpu.memref_slice %arg6[%mul3A_2] : memref<1000192xi32, #tpu.memory_space<hbm>> -> memref<31256xi32, #tpu.memory_space<hbm>>
      %dma_wait3A_602 = tpu.memref_slice %arg6[%mul3A_2] : memref<1000192xi32, #tpu.memory_space<hbm>> -> memref<31256xi32, #tpu.memory_space<hbm>>
      tpu.wait_dma2 semaphore(%run_scoped3A : memref<!tpu.dma_semaphore, #tpu.memory_space<semaphore_mem>>) src(%arg10 : memref<31256xi32, #tpu.memory_space<vmem>>) dst(%dma_wait3A_602 : memref<31256xi32, #tpu.memory_space<hbm>>)
      tpu.yield
    }) : () -> ()
    %dma_wait3A = arith.constant 0 : i32
    %dma_wait3A_451 = arith.constant 0 : i32
    %dma_wait3A_452 = tpu.memref_slice %arg11[%dma_wait3A, %dma_wait3A_451] : memref<512x128xf32, #tpu.memory_space<vmem>> -> memref<128x128xf32, #tpu.memory_space<vmem>>
    %dma_wait3A_453 = tpu.memref_slice %arg9[%add3A_6] : memref<16384xi32, #tpu.memory_space<vmem>> -> memref<128xi32, #tpu.memory_space<vmem>>
    %dma_wait3A_454 = arith.constant 0 : i32
    %dma_wait3A_455 = arith.constant 0 : i32
    %dma_wait3A_456 = tpu.memref_slice %arg5[%dma_wait3A_454, %dma_wait3A_455] : memref<1000000x128xf32, #tpu.memory_space<hbm>> -> memref<1000000x128xf32, #tpu.memory_space<hbm>>
    tpu.wait_indirect_dma semaphore(%arg16 : memref<!tpu.dma_semaphore, #tpu.memory_space<semaphore_mem>>) src(%dma_wait3A_456 : memref<1000000x128xf32, #tpu.memory_space<hbm>>) dst(%dma_wait3A_452 : memref<128x128xf32, #tpu.memory_space<vmem>>)
    %dma_wait3A_457 = arith.constant 128 : i32
    %dma_wait3A_458 = arith.constant 0 : i32
    %dma_wait3A_459 = tpu.memref_slice %arg11[%dma_wait3A_457, %dma_wait3A_458] : memref<512x128xf32, #tpu.memory_space<vmem>> -> memref<128x128xf32, #tpu.memory_space<vmem>>
    %dma_wait3A_460 = tpu.memref_slice %arg9[%add3A_14] : memref<16384xi32, #tpu.memory_space<vmem>> -> memref<128xi32, #tpu.memory_space<vmem>>
    %dma_wait3A_461 = arith.constant 0 : i32
    %dma_wait3A_462 = arith.constant 0 : i32
    %dma_wait3A_463 = tpu.memref_slice %arg5[%dma_wait3A_461, %dma_wait3A_462] : memref<1000000x128xf32, #tpu.memory_space<hbm>> -> memref<1000000x128xf32, #tpu.memory_space<hbm>>
    tpu.wait_indirect_dma semaphore(%arg16 : memref<!tpu.dma_semaphore, #tpu.memory_space<semaphore_mem>>) src(%dma_wait3A_463 : memref<1000000x128xf32, #tpu.memory_space<hbm>>) dst(%dma_wait3A_459 : memref<128x128xf32, #tpu.memory_space<vmem>>)
    %dma_wait3A_464 = arith.constant 256 : i32
    %dma_wait3A_465 = arith.constant 0 : i32
    %dma_wait3A_466 = tpu.memref_slice %arg11[%dma_wait3A_464, %dma_wait3A_465] : memref<512x128xf32, #tpu.memory_space<vmem>> -> memref<128x128xf32, #tpu.memory_space<vmem>>
    %dma_wait3A_467 = tpu.memref_slice %arg9[%add3A_23] : memref<16384xi32, #tpu.memory_space<vmem>> -> memref<128xi32, #tpu.memory_space<vmem>>
    %dma_wait3A_468 = arith.constant 0 : i32
    %dma_wait3A_469 = arith.constant 0 : i32
    %dma_wait3A_470 = tpu.memref_slice %arg5[%dma_wait3A_468, %dma_wait3A_469] : memref<1000000x128xf32, #tpu.memory_space<hbm>> -> memref<1000000x128xf32, #tpu.memory_space<hbm>>
    tpu.wait_indirect_dma semaphore(%arg16 : memref<!tpu.dma_semaphore, #tpu.memory_space<semaphore_mem>>) src(%dma_wait3A_470 : memref<1000000x128xf32, #tpu.memory_space<hbm>>) dst(%dma_wait3A_466 : memref<128x128xf32, #tpu.memory_space<vmem>>)
    %dma_wait3A_471 = arith.constant 384 : i32
    %dma_wait3A_472 = arith.constant 0 : i32
    %dma_wait3A_473 = tpu.memref_slice %arg11[%dma_wait3A_471, %dma_wait3A_472] : memref<512x128xf32, #tpu.memory_space<vmem>> -> memref<128x128xf32, #tpu.memory_space<vmem>>
    %dma_wait3A_474 = tpu.memref_slice %arg9[%add3A_32] : memref<16384xi32, #tpu.memory_space<vmem>> -> memref<128xi32, #tpu.memory_space<vmem>>
    %dma_wait3A_475 = arith.constant 0 : i32
    %dma_wait3A_476 = arith.constant 0 : i32
    %dma_wait3A_477 = tpu.memref_slice %arg5[%dma_wait3A_475, %dma_wait3A_476] : memref<1000000x128xf32, #tpu.memory_space<hbm>> -> memref<1000000x128xf32, #tpu.memory_space<hbm>>
    tpu.wait_indirect_dma semaphore(%arg16 : memref<!tpu.dma_semaphore, #tpu.memory_space<semaphore_mem>>) src(%dma_wait3A_477 : memref<1000000x128xf32, #tpu.memory_space<hbm>>) dst(%dma_wait3A_473 : memref<128x128xf32, #tpu.memory_space<vmem>>)
    "tpu.region"() ({
      %run_scoped3A = tpu.sem_alloc : memref<!tpu.dma_semaphore, #tpu.memory_space<semaphore_mem>>
      %dma_start3A_599 = arith.constant 0 : i32
      %dma_start3A_600 = tpu.memref_slice %arg7[%mul3A_4, %dma_start3A_599] : memref<16384x128xf32, #tpu.memory_space<hbm>> -> memref<512x128xf32, #tpu.memory_space<hbm>>
      %dma_start3A_601 = arith.constant 0 : i32
      %dma_start3A_602 = tpu.memref_slice %arg7[%mul3A_4, %dma_start3A_601] : memref<16384x128xf32, #tpu.memory_space<hbm>> -> memref<512x128xf32, #tpu.memory_space<hbm>>
      tpu.enqueue_dma source(%arg11 : memref<512x128xf32, #tpu.memory_space<vmem>>) target(%dma_start3A_602 : memref<512x128xf32, #tpu.memory_space<hbm>>) target_semaphore(%run_scoped3A : memref<!tpu.dma_semaphore, #tpu.memory_space<semaphore_mem>>)
      %dma_wait3A_603 = arith.constant 0 : i32
      %dma_wait3A_604 = tpu.memref_slice %arg7[%mul3A_4, %dma_wait3A_603] : memref<16384x128xf32, #tpu.memory_space<hbm>> -> memref<512x128xf32, #tpu.memory_space<hbm>>
      %dma_wait3A_605 = arith.constant 0 : i32
      %dma_wait3A_606 = tpu.memref_slice %arg7[%mul3A_4, %dma_wait3A_605] : memref<16384x128xf32, #tpu.memory_space<hbm>> -> memref<512x128xf32, #tpu.memory_space<hbm>>
      tpu.wait_dma2 semaphore(%run_scoped3A : memref<!tpu.dma_semaphore, #tpu.memory_space<semaphore_mem>>) src(%arg11 : memref<512x128xf32, #tpu.memory_space<vmem>>) dst(%dma_wait3A_606 : memref<512x128xf32, #tpu.memory_space<hbm>>)
      tpu.yield
    }) : () -> ()
    %dma_wait3A_478 = arith.constant 0 : i32
    %dma_wait3A_479 = tpu.memref_slice %arg14[%dma_wait3A_478] : memref<512xf32, #tpu.memory_space<vmem>> -> memref<128xf32, #tpu.memory_space<vmem>>
    %dma_wait3A_480 = arith.constant 0 : i32
    %dma_wait3A_481 = tpu.memref_slice %arg13[%dma_wait3A_480] : memref<512xi32, #tpu.memory_space<vmem>> -> memref<128xi32, #tpu.memory_space<vmem>>
    %dma_wait3A_482 = arith.constant 0 : i32
    %dma_wait3A_483 = tpu.memref_slice %arg4[%dma_wait3A_482] : memref<2097152xf32, #tpu.memory_space<hbm>> -> memref<2097152xf32, #tpu.memory_space<hbm>>
    tpu.wait_indirect_dma semaphore(%arg18 : memref<!tpu.dma_semaphore, #tpu.memory_space<semaphore_mem>>) src(%dma_wait3A_483 : memref<2097152xf32, #tpu.memory_space<hbm>>) dst(%dma_wait3A_479 : memref<128xf32, #tpu.memory_space<vmem>>)
    %dma_wait3A_484 = arith.constant 128 : i32
    %dma_wait3A_485 = tpu.memref_slice %arg14[%dma_wait3A_484] : memref<512xf32, #tpu.memory_space<vmem>> -> memref<128xf32, #tpu.memory_space<vmem>>
    %dma_wait3A_486 = arith.constant 128 : i32
    %dma_wait3A_487 = tpu.memref_slice %arg13[%dma_wait3A_486] : memref<512xi32, #tpu.memory_space<vmem>> -> memref<128xi32, #tpu.memory_space<vmem>>
    %dma_wait3A_488 = arith.constant 0 : i32
    %dma_wait3A_489 = tpu.memref_slice %arg4[%dma_wait3A_488] : memref<2097152xf32, #tpu.memory_space<hbm>> -> memref<2097152xf32, #tpu.memory_space<hbm>>
    tpu.wait_indirect_dma semaphore(%arg18 : memref<!tpu.dma_semaphore, #tpu.memory_space<semaphore_mem>>) src(%dma_wait3A_489 : memref<2097152xf32, #tpu.memory_space<hbm>>) dst(%dma_wait3A_485 : memref<128xf32, #tpu.memory_space<vmem>>)
    %dma_wait3A_490 = arith.constant 256 : i32
    %dma_wait3A_491 = tpu.memref_slice %arg14[%dma_wait3A_490] : memref<512xf32, #tpu.memory_space<vmem>> -> memref<128xf32, #tpu.memory_space<vmem>>
    %dma_wait3A_492 = arith.constant 256 : i32
    %dma_wait3A_493 = tpu.memref_slice %arg13[%dma_wait3A_492] : memref<512xi32, #tpu.memory_space<vmem>> -> memref<128xi32, #tpu.memory_space<vmem>>
    %dma_wait3A_494 = arith.constant 0 : i32
    %dma_wait3A_495 = tpu.memref_slice %arg4[%dma_wait3A_494] : memref<2097152xf32, #tpu.memory_space<hbm>> -> memref<2097152xf32, #tpu.memory_space<hbm>>
    tpu.wait_indirect_dma semaphore(%arg18 : memref<!tpu.dma_semaphore, #tpu.memory_space<semaphore_mem>>) src(%dma_wait3A_495 : memref<2097152xf32, #tpu.memory_space<hbm>>) dst(%dma_wait3A_491 : memref<128xf32, #tpu.memory_space<vmem>>)
    %dma_wait3A_496 = arith.constant 384 : i32
    %dma_wait3A_497 = tpu.memref_slice %arg14[%dma_wait3A_496] : memref<512xf32, #tpu.memory_space<vmem>> -> memref<128xf32, #tpu.memory_space<vmem>>
    %dma_wait3A_498 = arith.constant 384 : i32
    %dma_wait3A_499 = tpu.memref_slice %arg13[%dma_wait3A_498] : memref<512xi32, #tpu.memory_space<vmem>> -> memref<128xi32, #tpu.memory_space<vmem>>
    %dma_wait3A_500 = arith.constant 0 : i32
    %dma_wait3A_501 = tpu.memref_slice %arg4[%dma_wait3A_500] : memref<2097152xf32, #tpu.memory_space<hbm>> -> memref<2097152xf32, #tpu.memory_space<hbm>>
    tpu.wait_indirect_dma semaphore(%arg18 : memref<!tpu.dma_semaphore, #tpu.memory_space<semaphore_mem>>) src(%dma_wait3A_501 : memref<2097152xf32, #tpu.memory_space<hbm>>) dst(%dma_wait3A_497 : memref<128xf32, #tpu.memory_space<vmem>>)
    %get3A_502 = arith.constant 0 : index
    %get3A_503 = tpu.vector_load %arg14[%get3A_502] {strides = array<i32>} : memref<512xf32, #tpu.memory_space<vmem>>, vector<16xf32>,
    %get3A_504 = arith.constant 16 : index
    %get3A_505 = tpu.vector_load %arg14[%get3A_504] {strides = array<i32>} : memref<512xf32, #tpu.memory_space<vmem>>, vector<16xf32>,
    %add3A_506 = arith.addf %get3A_503, %get3A_505 : vector<16xf32>
    %get3A_507 = arith.constant 32 : index
    %get3A_508 = tpu.vector_load %arg14[%get3A_507] {strides = array<i32>} : memref<512xf32, #tpu.memory_space<vmem>>, vector<16xf32>,
    %add3A_509 = arith.addf %add3A_506, %get3A_508 : vector<16xf32>
    %get3A_510 = arith.constant 48 : index
    %get3A_511 = tpu.vector_load %arg14[%get3A_510] {strides = array<i32>} : memref<512xf32, #tpu.memory_space<vmem>>, vector<16xf32>,
    %add3A_512 = arith.addf %add3A_509, %get3A_511 : vector<16xf32>
    %get3A_513 = arith.constant 64 : index
    %get3A_514 = tpu.vector_load %arg14[%get3A_513] {strides = array<i32>} : memref<512xf32, #tpu.memory_space<vmem>>, vector<16xf32>,
    %add3A_515 = arith.addf %add3A_512, %get3A_514 : vector<16xf32>
    %get3A_516 = arith.constant 80 : index
    %get3A_517 = tpu.vector_load %arg14[%get3A_516] {strides = array<i32>} : memref<512xf32, #tpu.memory_space<vmem>>, vector<16xf32>,
    %add3A_518 = arith.addf %add3A_515, %get3A_517 : vector<16xf32>
    %get3A_519 = arith.constant 96 : index
    %get3A_520 = tpu.vector_load %arg14[%get3A_519] {strides = array<i32>} : memref<512xf32, #tpu.memory_space<vmem>>, vector<16xf32>,
    %add3A_521 = arith.addf %add3A_518, %get3A_520 : vector<16xf32>
    %get3A_522 = arith.constant 112 : index
    %get3A_523 = tpu.vector_load %arg14[%get3A_522] {strides = array<i32>} : memref<512xf32, #tpu.memory_space<vmem>>, vector<16xf32>,
    %add3A_524 = arith.addf %add3A_521, %get3A_523 : vector<16xf32>
    %get3A_525 = arith.constant 128 : index
    %get3A_526 = tpu.vector_load %arg14[%get3A_525] {strides = array<i32>} : memref<512xf32, #tpu.memory_space<vmem>>, vector<16xf32>,
    %add3A_527 = arith.addf %add3A_524, %get3A_526 : vector<16xf32>
    %get3A_528 = arith.constant 144 : index
    %get3A_529 = tpu.vector_load %arg14[%get3A_528] {strides = array<i32>} : memref<512xf32, #tpu.memory_space<vmem>>, vector<16xf32>,
    %add3A_530 = arith.addf %add3A_527, %get3A_529 : vector<16xf32>
    %get3A_531 = arith.constant 160 : index
    %get3A_532 = tpu.vector_load %arg14[%get3A_531] {strides = array<i32>} : memref<512xf32, #tpu.memory_space<vmem>>, vector<16xf32>,
    %add3A_533 = arith.addf %add3A_530, %get3A_532 : vector<16xf32>
    %get3A_534 = arith.constant 176 : index
    %get3A_535 = tpu.vector_load %arg14[%get3A_534] {strides = array<i32>} : memref<512xf32, #tpu.memory_space<vmem>>, vector<16xf32>,
    %add3A_536 = arith.addf %add3A_533, %get3A_535 : vector<16xf32>
    %get3A_537 = arith.constant 192 : index
    %get3A_538 = tpu.vector_load %arg14[%get3A_537] {strides = array<i32>} : memref<512xf32, #tpu.memory_space<vmem>>, vector<16xf32>,
    %add3A_539 = arith.addf %add3A_536, %get3A_538 : vector<16xf32>
    %get3A_540 = arith.constant 208 : index
    %get3A_541 = tpu.vector_load %arg14[%get3A_540] {strides = array<i32>} : memref<512xf32, #tpu.memory_space<vmem>>, vector<16xf32>,
    %add3A_542 = arith.addf %add3A_539, %get3A_541 : vector<16xf32>
    %get3A_543 = arith.constant 224 : index
    %get3A_544 = tpu.vector_load %arg14[%get3A_543] {strides = array<i32>} : memref<512xf32, #tpu.memory_space<vmem>>, vector<16xf32>,
    %add3A_545 = arith.addf %add3A_542, %get3A_544 : vector<16xf32>
    %get3A_546 = arith.constant 240 : index
    %get3A_547 = tpu.vector_load %arg14[%get3A_546] {strides = array<i32>} : memref<512xf32, #tpu.memory_space<vmem>>, vector<16xf32>,
    %add3A_548 = arith.addf %add3A_545, %get3A_547 : vector<16xf32>
    %get3A_549 = arith.constant 256 : index
    %get3A_550 = tpu.vector_load %arg14[%get3A_549] {strides = array<i32>} : memref<512xf32, #tpu.memory_space<vmem>>, vector<16xf32>,
    %add3A_551 = arith.addf %add3A_548, %get3A_550 : vector<16xf32>
    %get3A_552 = arith.constant 272 : index
    %get3A_553 = tpu.vector_load %arg14[%get3A_552] {strides = array<i32>} : memref<512xf32, #tpu.memory_space<vmem>>, vector<16xf32>,
    %add3A_554 = arith.addf %add3A_551, %get3A_553 : vector<16xf32>
    %get3A_555 = arith.constant 288 : index
    %get3A_556 = tpu.vector_load %arg14[%get3A_555] {strides = array<i32>} : memref<512xf32, #tpu.memory_space<vmem>>, vector<16xf32>,
    %add3A_557 = arith.addf %add3A_554, %get3A_556 : vector<16xf32>
    %get3A_558 = arith.constant 304 : index
    %get3A_559 = tpu.vector_load %arg14[%get3A_558] {strides = array<i32>} : memref<512xf32, #tpu.memory_space<vmem>>, vector<16xf32>,
    %add3A_560 = arith.addf %add3A_557, %get3A_559 : vector<16xf32>
    %get3A_561 = arith.constant 320 : index
    %get3A_562 = tpu.vector_load %arg14[%get3A_561] {strides = array<i32>} : memref<512xf32, #tpu.memory_space<vmem>>, vector<16xf32>,
    %add3A_563 = arith.addf %add3A_560, %get3A_562 : vector<16xf32>
    %get3A_564 = arith.constant 336 : index
    %get3A_565 = tpu.vector_load %arg14[%get3A_564] {strides = array<i32>} : memref<512xf32, #tpu.memory_space<vmem>>, vector<16xf32>,
    %add3A_566 = arith.addf %add3A_563, %get3A_565 : vector<16xf32>
    %get3A_567 = arith.constant 352 : index
    %get3A_568 = tpu.vector_load %arg14[%get3A_567] {strides = array<i32>} : memref<512xf32, #tpu.memory_space<vmem>>, vector<16xf32>,
    %add3A_569 = arith.addf %add3A_566, %get3A_568 : vector<16xf32>
    %get3A_570 = arith.constant 368 : index
    %get3A_571 = tpu.vector_load %arg14[%get3A_570] {strides = array<i32>} : memref<512xf32, #tpu.memory_space<vmem>>, vector<16xf32>,
    %add3A_572 = arith.addf %add3A_569, %get3A_571 : vector<16xf32>
    %get3A_573 = arith.constant 384 : index
    %get3A_574 = tpu.vector_load %arg14[%get3A_573] {strides = array<i32>} : memref<512xf32, #tpu.memory_space<vmem>>, vector<16xf32>,
    %add3A_575 = arith.addf %add3A_572, %get3A_574 : vector<16xf32>
    %get3A_576 = arith.constant 400 : index
    %get3A_577 = tpu.vector_load %arg14[%get3A_576] {strides = array<i32>} : memref<512xf32, #tpu.memory_space<vmem>>, vector<16xf32>,
    %add3A_578 = arith.addf %add3A_575, %get3A_577 : vector<16xf32>
    %get3A_579 = arith.constant 416 : index
    %get3A_580 = tpu.vector_load %arg14[%get3A_579] {strides = array<i32>} : memref<512xf32, #tpu.memory_space<vmem>>, vector<16xf32>,
    %add3A_581 = arith.addf %add3A_578, %get3A_580 : vector<16xf32>
    %get3A_582 = arith.constant 432 : index
    %get3A_583 = tpu.vector_load %arg14[%get3A_582] {strides = array<i32>} : memref<512xf32, #tpu.memory_space<vmem>>, vector<16xf32>,
    %add3A_584 = arith.addf %add3A_581, %get3A_583 : vector<16xf32>
    %get3A_585 = arith.constant 448 : index
    %get3A_586 = tpu.vector_load %arg14[%get3A_585] {strides = array<i32>} : memref<512xf32, #tpu.memory_space<vmem>>, vector<16xf32>,
    %add3A_587 = arith.addf %add3A_584, %get3A_586 : vector<16xf32>
    %get3A_588 = arith.constant 464 : index
    %get3A_589 = tpu.vector_load %arg14[%get3A_588] {strides = array<i32>} : memref<512xf32, #tpu.memory_space<vmem>>, vector<16xf32>,
    %add3A_590 = arith.addf %add3A_587, %get3A_589 : vector<16xf32>
    %get3A_591 = arith.constant 480 : index
    %get3A_592 = tpu.vector_load %arg14[%get3A_591] {strides = array<i32>} : memref<512xf32, #tpu.memory_space<vmem>>, vector<16xf32>,
    %add3A_593 = arith.addf %add3A_590, %get3A_592 : vector<16xf32>
    %get3A_594 = arith.constant 496 : index
    %get3A_595 = tpu.vector_load %arg14[%get3A_594] {strides = array<i32>} : memref<512xf32, #tpu.memory_space<vmem>>, vector<16xf32>,
    %add3A_596 = arith.addf %add3A_593, %get3A_595 : vector<16xf32>
    %swap3A_597 = arith.constant 0 : index
    %swap3A_598 = tpu.vector_load %arg15[%swap3A_597] {strides = array<i32>} : memref<16xf32, #tpu.memory_space<vmem>>, vector<16xf32>,
    tpu.vector_store %arg15[%swap3A_597], %add3A_596 {strides = array<i32>} : memref<16xf32, #tpu.memory_space<vmem>>, vector<16xf32>,
    "tpu.region"() ({
      %run_scoped3A = tpu.sem_alloc : memref<!tpu.dma_semaphore, #tpu.memory_space<semaphore_mem>>
      %dma_start3A_599 = arith.constant 0 : i32
      %dma_start3A_600 = tpu.memref_slice %arg8[%add3A, %dma_start3A_599] : memref<32x16xf32, #tpu.memory_space<hbm>> -> memref<1x16xf32, #tpu.memory_space<hbm>>
      %dma_start3A_601 = tpu.memref_squeeze %dma_start3A_600 : memref<1x16xf32, #tpu.memory_space<hbm>> -> memref<16xf32, #tpu.memory_space<hbm>>
      %dma_start3A_602 = arith.constant 0 : i32
      %dma_start3A_603 = tpu.memref_slice %arg8[%add3A, %dma_start3A_602] : memref<32x16xf32, #tpu.memory_space<hbm>> -> memref<1x16xf32, #tpu.memory_space<hbm>>
      %dma_start3A_604 = tpu.memref_squeeze %dma_start3A_603 : memref<1x16xf32, #tpu.memory_space<hbm>> -> memref<16xf32, #tpu.memory_space<hbm>>
      tpu.enqueue_dma source(%arg15 : memref<16xf32, #tpu.memory_space<vmem>>) target(%dma_start3A_604 : memref<16xf32, #tpu.memory_space<hbm>>) target_semaphore(%run_scoped3A : memref<!tpu.dma_semaphore, #tpu.memory_space<semaphore_mem>>)
      %dma_wait3A_605 = arith.constant 0 : i32
      %dma_wait3A_606 = tpu.memref_slice %arg8[%add3A, %dma_wait3A_605] : memref<32x16xf32, #tpu.memory_space<hbm>> -> memref<1x16xf32, #tpu.memory_space<hbm>>
      %dma_wait3A_607 = tpu.memref_squeeze %dma_wait3A_606 : memref<1x16xf32, #tpu.memory_space<hbm>> -> memref<16xf32, #tpu.memory_space<hbm>>
      %dma_wait3A_608 = arith.constant 0 : i32
      %dma_wait3A_609 = tpu.memref_slice %arg8[%add3A, %dma_wait3A_608] : memref<32x16xf32, #tpu.memory_space<hbm>> -> memref<1x16xf32, #tpu.memory_space<hbm>>
      %dma_wait3A_610 = tpu.memref_squeeze %dma_wait3A_609 : memref<1x16xf32, #tpu.memory_space<hbm>> -> memref<16xf32, #tpu.memory_space<hbm>>
      tpu.wait_dma2 semaphore(%run_scoped3A : memref<!tpu.dma_semaphore, #tpu.memory_space<semaphore_mem>>) src(%arg15 : memref<16xf32, #tpu.memory_space<vmem>>) dst(%dma_wait3A_610 : memref<16xf32, #tpu.memory_space<hbm>>)
      tpu.yield
    }) : () -> ()
    return
  }
}

module attributes {stable_mosaic.version = 14 : i64} {
  func.func @_loss_body(%arg0: i32, %arg1: memref<4096x128xf32, #tpu.memory_space<vmem>>, %arg2: memref<4096x128xf32, #tpu.memory_space<vmem>>, %arg3: memref<4096x128xf32, #tpu.memory_space<vmem>>, %arg4: memref<32x16xf32, #tpu.memory_space<vmem>>, %arg5: memref<1x1xf32, #tpu.memory_space<vmem>>, %arg6: memref<1x1xf32, #tpu.memory_space<vmem>>) attributes {dimension_semantics = [#tpu.dimension_semantics<arbitrary>], iteration_bounds = array<i64: 4>, scalar_prefetch = 0 : i64, scratch_operands = 1 : i64, tpu.core_type = #tpu.core_type<tc>, window_params = [{transform_indices = @transform_0, window_bounds = array<i64: 4096, 128>}, {transform_indices = @transform_1, window_bounds = array<i64: 4096, 128>}, {transform_indices = @transform_2, window_bounds = array<i64: 4096, 128>}, {pipeline_mode = #tpu.pipeline_mode<synchronous>, transform_indices = @transform_3, window_bounds = array<i64: 32, 16>}, {pipeline_mode = #tpu.pipeline_mode<synchronous>, transform_indices = @transform_4, window_bounds = array<i64: 1, 1>}]} {
    %get3A = arith.constant 0 : index
    %get3A_0 = arith.constant 0 : index
    %get3A_1 = vector.load %arg1[%get3A, %get3A_0] : memref<4096x128xf32, #tpu.memory_space<vmem>>, vector<4096x128xf32>
    %exp3A = math.exp %get3A_1 : vector<4096x128xf32>
    %broadcast_in_dim3A = arith.constant 1.000000e+00 : f32
    %broadcast_in_dim3A_2 = vector.broadcast %broadcast_in_dim3A : f32 to vector<128x1xf32>
    %dot_general3A = arith.constant dense<0.000000e+00> : vector<4096x1xf32>
    %dot_general3A_3 = tpu.matmul %exp3A, %broadcast_in_dim3A_2, %dot_general3A {dimension_numbers = #tpu.dot_dimension_numbers<[1], [0], [0], [1], [0, 0, 1, 1], [], []>, transpose_lhs_hint = false} : vector<4096x128xf32>, vector<128x1xf32>, vector<4096x1xf32> -> vector<4096x1xf32>
    %div3A = arith.constant 1.000000e+00 : f32
    %div3A_4 = vector.broadcast %div3A : f32 to vector<4096x1xf32>
    %div3A_5 = arith.divf %div3A_4, %dot_general3A_3 : vector<4096x1xf32>
    %mul3A = vector.broadcast %div3A_5 : vector<4096x1xf32> to vector<4096x128xf32>
    %mul3A_6 = arith.mulf %exp3A, %mul3A : vector<4096x128xf32>
    %jit3A = arith.constant 9.99999974E-5 : f32
    %jit3A_7 = arith.constant 0.999899983 : f32
    %max3A = vector.broadcast %jit3A : f32 to vector<4096x128xf32>
    %max3A_8 = arith.maximumf %max3A, %mul3A_6 : vector<4096x128xf32>
    %min3A = vector.broadcast %jit3A_7 : f32 to vector<4096x128xf32>
    %min3A_9 = arith.minimumf %min3A, %max3A_8 : vector<4096x128xf32>
    %get3A_10 = arith.constant 0 : index
    %get3A_11 = arith.constant 0 : index
    %get3A_12 = vector.load %arg3[%get3A_10, %get3A_11] : memref<4096x128xf32, #tpu.memory_space<vmem>>, vector<4096x128xf32>
    %exp3A_13 = math.exp %get3A_12 : vector<4096x128xf32>
    %dot_general3A_14 = arith.constant dense<0.000000e+00> : vector<4096x1xf32>
    %dot_general3A_15 = tpu.matmul %exp3A_13, %broadcast_in_dim3A_2, %dot_general3A_14 {dimension_numbers = #tpu.dot_dimension_numbers<[1], [0], [0], [1], [0, 0, 1, 1], [], []>, transpose_lhs_hint = false} : vector<4096x128xf32>, vector<128x1xf32>, vector<4096x1xf32> -> vector<4096x1xf32>
    %div3A_16 = arith.constant 1.000000e+00 : f32
    %div3A_17 = vector.broadcast %div3A_16 : f32 to vector<4096x1xf32>
    %div3A_18 = arith.divf %div3A_17, %dot_general3A_15 : vector<4096x1xf32>
    %mul3A_19 = vector.broadcast %div3A_18 : vector<4096x1xf32> to vector<4096x128xf32>
    %mul3A_20 = arith.mulf %exp3A_13, %mul3A_19 : vector<4096x128xf32>
    %jit3A_21 = arith.constant 9.99999974E-5 : f32
    %jit3A_22 = arith.constant 0.999899983 : f32
    %max3A_23 = vector.broadcast %jit3A_21 : f32 to vector<4096x128xf32>
    %max3A_24 = arith.maximumf %max3A_23, %mul3A_20 : vector<4096x128xf32>
    %min3A_25 = vector.broadcast %jit3A_22 : f32 to vector<4096x128xf32>
    %min3A_26 = arith.minimumf %min3A_25, %max3A_24 : vector<4096x128xf32>
    %dot_general3A_27 = arith.constant dense<0.000000e+00> : vector<4096x1xf32>
    %dot_general3A_28 = tpu.matmul %min3A_26, %broadcast_in_dim3A_2, %dot_general3A_27 {dimension_numbers = #tpu.dot_dimension_numbers<[1], [0], [0], [1], [0, 0, 1, 1], [], []>, transpose_lhs_hint = false} : vector<4096x128xf32>, vector<128x1xf32>, vector<4096x1xf32> -> vector<4096x1xf32>
    %div3A_29 = arith.constant 1.000000e+00 : f32
    %div3A_30 = vector.broadcast %div3A_29 : f32 to vector<4096x1xf32>
    %div3A_31 = arith.divf %div3A_30, %dot_general3A_28 : vector<4096x1xf32>
    %mul3A_32 = vector.broadcast %div3A_31 : vector<4096x1xf32> to vector<4096x128xf32>
    %mul3A_33 = arith.mulf %min3A_26, %mul3A_32 : vector<4096x128xf32>
    %get3A_34 = arith.constant 0 : index
    %get3A_35 = arith.constant 0 : index
    %get3A_36 = vector.load %arg2[%get3A_34, %get3A_35] : memref<4096x128xf32, #tpu.memory_space<vmem>>, vector<4096x128xf32>
    %mul3A_37 = arith.constant 0.699999988 : f32
    %mul3A_38 = vector.broadcast %mul3A_37 : f32 to vector<4096x128xf32>
    %mul3A_39 = arith.mulf %mul3A_38, %get3A_36 : vector<4096x128xf32>
    %mul3A_40 = arith.constant 3.000000e-01 : f32
    %mul3A_41 = vector.broadcast %mul3A_40 : f32 to vector<4096x128xf32>
    %mul3A_42 = arith.mulf %mul3A_41, %mul3A_33 : vector<4096x128xf32>
    %add3A = arith.addf %mul3A_39, %mul3A_42 : vector<4096x128xf32>
    %mul3A_43 = arith.mulf %add3A, %min3A_9 : vector<4096x128xf32>
    %dot_general3A_44 = arith.constant dense<0.000000e+00> : vector<4096x1xf32>
    %dot_general3A_45 = tpu.matmul %mul3A_43, %broadcast_in_dim3A_2, %dot_general3A_44 {dimension_numbers = #tpu.dot_dimension_numbers<[1], [0], [0], [1], [0, 0, 1, 1], [], []>, transpose_lhs_hint = false} : vector<4096x128xf32>, vector<128x1xf32>, vector<4096x1xf32> -> vector<4096x1xf32>
    %log3A = math.log %dot_general3A_3 : vector<4096x1xf32>
    %sub3A = arith.constant 1.000000e+00 : f32
    %sub3A_46 = vector.broadcast %sub3A : f32 to vector<4096x1xf32>
    %sub3A_47 = arith.subf %sub3A_46, %dot_general3A_45 : vector<4096x1xf32>
    %log3A_48 = math.log %sub3A_47 : vector<4096x1xf32>
    %mul3A_49 = arith.constant 3.000000e+00 : f32
    %mul3A_50 = vector.broadcast %mul3A_49 : f32 to vector<4096x1xf32>
    %mul3A_51 = arith.mulf %mul3A_50, %log3A_48 : vector<4096x1xf32>
    %add3A_52 = arith.addf %log3A, %mul3A_51 : vector<4096x1xf32>
    %broadcast_in_dim3A_53 = arith.constant 1.000000e+00 : f32
    %broadcast_in_dim3A_54 = vector.broadcast %broadcast_in_dim3A_53 : f32 to vector<1x4096xf32>
    %dot_general3A_55 = arith.constant dense<0.000000e+00> : vector<1x1xf32>
    %dot_general3A_56 = tpu.matmul %broadcast_in_dim3A_54, %add3A_52, %dot_general3A_55 {dimension_numbers = #tpu.dot_dimension_numbers<[1], [0], [0], [1], [0, 0, 1, 1], [], []>, transpose_lhs_hint = false} : vector<1x4096xf32>, vector<4096x1xf32>, vector<1x1xf32> -> vector<1x1xf32>
    %eq3A = arith.constant 0 : i32
    %eq3A_57 = arith.cmpi eq, %arg0, %eq3A : i32
    %convert_element_type3A = arith.extui %eq3A_57 : i1 to i32
    %cond3A = arith.constant 0 : i32
    %cond3A_58 = arith.cmpi ne, %convert_element_type3A, %cond3A : i32
    scf.if %cond3A_58 {
      %broadcast_in_dim3A_70 = arith.constant 0.000000e+00 : f32
      %broadcast_in_dim3A_71 = vector.broadcast %broadcast_in_dim3A_70 : f32 to vector<1x1xf32>
      %swap3A_72 = arith.constant 0 : index
      %swap3A_73 = arith.constant 0 : index
      %swap3A_74 = vector.load %arg6[%swap3A_72, %swap3A_73] : memref<1x1xf32, #tpu.memory_space<vmem>>, vector<1x1xf32>
      tpu.vector_store %arg6[%swap3A_72, %swap3A_73], %broadcast_in_dim3A_71 {strides = array<i32>} : memref<1x1xf32, #tpu.memory_space<vmem>>, vector<1x1xf32>,
    } else {
    }
    %get3A_59 = arith.constant 0 : index
    %get3A_60 = arith.constant 0 : index
    %get3A_61 = vector.load %arg6[%get3A_59, %get3A_60] : memref<1x1xf32, #tpu.memory_space<vmem>>, vector<1x1xf32>
    %add3A_62 = arith.addf %get3A_61, %dot_general3A_56 : vector<1x1xf32>
    %swap3A = arith.constant 0 : index
    %swap3A_63 = arith.constant 0 : index
    %swap3A_64 = vector.load %arg6[%swap3A, %swap3A_63] : memref<1x1xf32, #tpu.memory_space<vmem>>, vector<1x1xf32>
    tpu.vector_store %arg6[%swap3A, %swap3A_63], %add3A_62 {strides = array<i32>} : memref<1x1xf32, #tpu.memory_space<vmem>>, vector<1x1xf32>,
    %eq3A_65 = arith.constant 3 : i32
    %eq3A_66 = arith.cmpi eq, %arg0, %eq3A_65 : i32
    %convert_element_type3A_67 = arith.extui %eq3A_66 : i1 to i32
    %cond3A_68 = arith.constant 0 : i32
    %cond3A_69 = arith.cmpi ne, %convert_element_type3A_67, %cond3A_68 : i32
    scf.if %cond3A_69 {
      %get3A_70 = arith.constant 0 : index
      %get3A_71 = arith.constant 0 : index
      %get3A_72 = vector.load %arg6[%get3A_70, %get3A_71] : memref<1x1xf32, #tpu.memory_space<vmem>>, vector<1x1xf32>
      %get3A_73 = arith.constant 0 : index
      %get3A_74 = arith.constant 0 : index
      %get3A_75 = vector.load %arg4[%get3A_73, %get3A_74] : memref<32x16xf32, #tpu.memory_space<vmem>>, vector<32x16xf32>
      %reduce_sum3A = vector.shape_cast %get3A_75 : vector<32x16xf32> to vector<1x32x16xf32>
      %reduce_sum3A_76 = arith.constant dense<0.000000e+00> : vector<1xf32>
      %reduce_sum3A_77 = vector.multi_reduction <add>, %reduce_sum3A, %reduce_sum3A_76 [1, 2] : vector<1x32x16xf32> to vector<1xf32>
      %reduce_sum3A_78 = vector.shape_cast %reduce_sum3A_77 : vector<1xf32> to vector<1x1x1xf32>
      %reduce_sum3A_79 = vector.extract %reduce_sum3A_78[0, 0, 0] : f32 from vector<1x1x1xf32>
      %sub3A_80 = vector.broadcast %reduce_sum3A_79 : f32 to vector<1x1xf32>
      %sub3A_81 = arith.subf %get3A_72, %sub3A_80 : vector<1x1xf32>
      %div3A_82 = arith.constant 1.638400e+04 : f32
      %div3A_83 = vector.broadcast %div3A_82 : f32 to vector<1x1xf32>
      %div3A_84 = arith.divf %sub3A_81, %div3A_83 : vector<1x1xf32>
      %swap3A_85 = arith.constant 0 : index
      %swap3A_86 = arith.constant 0 : index
      %swap3A_87 = vector.load %arg5[%swap3A_85, %swap3A_86] : memref<1x1xf32, #tpu.memory_space<vmem>>, vector<1x1xf32>
      tpu.vector_store %arg5[%swap3A_85, %swap3A_86], %div3A_84 {strides = array<i32>} : memref<1x1xf32, #tpu.memory_space<vmem>>, vector<1x1xf32>,
    } else {
    }
    return
  }
  func.func @transform_0(%arg0: i32) -> (i32, i32) {
    %c0_i32 = arith.constant 0 : i32
    %c0_i32_0 = arith.constant 0 : i32
    return %arg0, %c0_i32 : i32, i32
  }
  func.func @transform_1(%arg0: i32) -> (i32, i32) {
    %c0_i32 = arith.constant 0 : i32
    %c0_i32_0 = arith.constant 0 : i32
    return %arg0, %c0_i32 : i32, i32
  }
  func.func @transform_2(%arg0: i32) -> (i32, i32) {
    %c0_i32 = arith.constant 0 : i32
    %c0_i32_0 = arith.constant 0 : i32
    return %arg0, %c0_i32 : i32, i32
  }
  func.func @transform_3(%arg0: i32) -> (i32, i32) {
    %c0_i32 = arith.constant 0 : i32
    %c0_i32_0 = arith.constant 0 : i32
    %c0_i32_1 = arith.constant 0 : i32
    return %c0_i32, %c0_i32_0 : i32, i32
  }
  func.func @transform_4(%arg0: i32) -> (i32, i32) {
    %c0_i32 = arith.constant 0 : i32
    %c0_i32_0 = arith.constant 0 : i32
    %c0_i32_1 = arith.constant 0 : i32
    return %c0_i32, %c0_i32_0 : i32, i32
  }
}

</mosaic_0001>

<sc_bundles>
// kernel: kernel.5.cloned.1.call-start
scs
__scs_entry_jumppad:
0x0: {  	(pc) =	sbr.rel $0x88, $3  }
0x1: {  	(tag) =	ssettag $0x0;
	lr =	simm.s32 $0x1  }
0x2: {  	[smem:$0x3F9D] =	sst lr;
	_ =	strace $0xD0000000  }
0x3: {  	_ = 	snop  }
0x4: {  	_ = 	snop  }
0x5: {  	_ = 	snop  }
0x6: {  	_ = 	snop  }
0x7: {  	_ = 	snop  }
__scs_overlays_trampoline_lowered:
0x8: {  	[smem:$0x3FAC] =	sst s0  }
0x9: {  	[smem:$0x3FAD] =	sst s1  }
0xa: {  	[smem:$0x3FAE] =	sst s2  }
0xb: {  	[smem:$0x3FAF] =	sst s3  }
0xc: {  	[smem:$0x3FB0] =	sst s4  }
0xd: {  	[smem:$0x3FB1] =	sst s5  }
0xe: {  	[smem:$0x3FB2] =	sst s6  }
0xf: {  	[smem:$0x3FB3] =	sst s7  }
0x10: {  	[smem:$0x3FB4] =	sst s8  }
0x11: {  	[smem:$0x3FB5] =	sst s9;
	s0 =	simm.s32 @!p0 $0x0  }
0x12: {  	s1 =	sld [smem:$0x3F9B];
	s0 =	simm.s32 @p0 $0x1  }
0x13: {  	[smem:$0x3FB6] =	sst s0;
	s0 =	simm.s32 @!p1 $0x0  }
0x14: {  	s2 =	sld [smem:$0x3F9A];
	s0 =	simm.s32 @p1 $0x1  }
0x15: {  	[smem:$0x3FB7] =	sst s0;
	s0 =	simm.s32 @!p2 $0x0  }
0x16: {  	s3 =	sld [smem:$0x3FDB];
	s0 =	simm.s32 @p2 $0x1  }
0x17: {  	s4 =	simm.s32 $0x1BF5;
	[smem:$0x3FB9] =	sst s0  }
0x18: {  	s0 =	sld [smem:$0x3F9C];
	_ =	swait.ge [sflag:s4], $0x0  }
0x19: {  	s7 =	sld [smem:$0x3F9D]  }
0x1a: {  	s8 =	sadd.s32 $0xFFFFE003, lr  }
0x1b: {  	s9 =	sadd.s32 $0xFFFFFEF7, lr;
	s5 =	simm.s32 $0xFFFFFFFF;
	p2 =	slt.u32 s8, $0xFFFFF086  }
0x1c: {  	p1 =	slt.u32 s9, $0xF7A;
	s5 =	simm.s32 @!p2 $0x0  }
0x1d: {  	s5 =	simm.s32 @p1 $0x1;
	p0 =	seq.s32 s7, s2  }
0x1e: {  	s7 =	smul.u32 @!p0 $0xF7A, s2;
	p2 =	seq.s32 @!p0 s5, $0x0  }
0x1f: {  	s9 =	smul.u32 $0xF7A, s1;
	s8 =	simm.s32 @!p0 $0x1BF5;
	p2 =	por !p2, p0  }
0x20: {  	[sflag:s8] =	ssyncset.s32 @!p0 $0xFFFFF086;
	s6 =	sadd.s32 @!p0 s3, s7;
	s7 =	simm.s32 @!p0 $0x108  }
0x21: {  	s3 =	sadd.s32 s3, s9;
	s6 =	sadd.s32 @!p0 $0x88, s6;
	s7 =	simm.s32 @p2 $0x1082  }
0x22: {  	[simem:s7], [sflag:s8] =	dma.local @!p0 [hbm:s6], $0xF7A  }
0x23: {  	s9 =	sor.u32 $0xD0000000, s2;
	s6 =	simm.s32 $0x108;
	_ =	swait.ge @!p0 [sflag:s8], $0x0  }
0x24: {  	s3 =	sadd.s32 $0x88, s3;
	s6 =	simm.s32 @!p1 $0x1082;
	[sflag:s4] =	ssyncset.s32 $0xFFFFF086  }
0x25: {  	[simem:s6], [sflag:s4] =	dma.local [hbm:s3], $0xF7A  }
0x26: {  	[smem:$0x3F9D] =	sst s1;
	(tag) =	ssettag s2;
	_ =	strace s9  }
0x27: {  	s1 =	sld [smem:$0x3FAD]  }
0x28: {  	s2 =	sld [smem:$0x3FAE]  }
0x29: {  	s4 =	sld [smem:$0x3FB0]  }
0x2a: {  	p0 =	seq.s32 s5, $0x0;
	s5 =	sld [smem:$0x3FB1]  }
0x2b: {  	s6 =	sld [smem:$0x3FB2]  }
0x2c: {  	s7 =	sld [smem:$0x3FB3]  }
0x2d: {  	s3 =	simm.s32 $0x108;
	s8 =	sld [smem:$0x3FB4]  }
0x2e: {  	s3 =	simm.s32 @!p0 $0x1082;
	s9 =	sld [smem:$0x3FB5]  }
0x2f: {  	lr =	sadd.s32 s0, s3;
	s0 =	sld [smem:$0x3FAC]  }
0x30: {  	s3 =	sld [smem:$0x3FAF]  }
0x31: {  	[smem:$0x3FB8] =	sst s10  }
0x32: {  	s10 =	sld [smem:$0x3FB6];
	_ =	sdelay $0x3  }
0x33: {  	p0 =	seq.s32 s10, $0x1;
	s10 =	sld [smem:$0x3FB8];
	_ =	sdelay $0x3  }
0x34: {  	[smem:$0x3FB8] =	sst s10  }
0x35: {  	s10 =	sld [smem:$0x3FB7];
	_ =	sdelay $0x3  }
0x36: {  	p1 =	seq.s32 s10, $0x1;
	s10 =	sld [smem:$0x3FB8];
	_ =	sdelay $0x3  }
0x37: {  	[smem:$0x3FB8] =	sst s10  }
0x38: {  	s10 =	sld [smem:$0x3FB9]  }
0x39: {  	_ = 	snop;
	(pc) =	sbr.ind lr, $3  }
0x3a: {  	_ = 	snop  }
0x3b: {  	_ = 	snop  }
0x3c: {  	p2 =	seq.s32 s10, $0x1;
	s10 =	sld [smem:$0x3FB8]  }
0x3d: {  	_ =	shalt  }
0x3e: {  	_ =	shalt  }
0x3f: {  	_ =	shalt  }
0x40: {  	_ =	shalt  }
0x41: {  	_ =	shalt  }
0x42: {  	_ =	shalt  }
0x43: {  	_ =	shalt  }
0x44: {  	_ =	shalt  }
0x45: {  	_ =	shalt  }
0x46: {  	_ =	shalt  }
0x47: {  	_ =	shalt  }
0x48: {  	_ =	shalt  }
0x49: {  	_ =	shalt  }
0x4a: {  	_ =	shalt  }
0x4b: {  	_ =	shalt  }
0x4c: {  	_ =	shalt  }
0x4d: {  	_ =	shalt  }
0x4e: {  	_ =	shalt  }
0x4f: {  	_ =	shalt  }
0x50: {  	_ =	shalt  }
0x51: {  	_ =	shalt  }
0x52: {  	_ =	shalt  }
0x53: {  	_ =	shalt  }
0x54: {  	_ =	shalt  }
0x55: {  	_ =	shalt  }
0x56: {  	_ =	shalt  }
0x57: {  	_ =	shalt  }
0x58: {  	_ =	shalt  }
0x59: {  	_ =	shalt  }
0x5a: {  	_ =	shalt  }
0x5b: {  	_ =	shalt  }
0x5c: {  	_ =	shalt  }
0x5d: {  	_ =	shalt  }
0x5e: {  	_ =	shalt  }
0x5f: {  	_ =	shalt  }
0x60: {  	_ =	shalt  }
0x61: {  	_ =	shalt  }
0x62: {  	_ =	shalt  }
0x63: {  	_ =	shalt  }
0x64: {  	_ =	shalt  }
0x65: {  	_ =	shalt  }
0x66: {  	_ =	shalt  }
0x67: {  	_ =	shalt  }
0x68: {  	_ =	shalt  }
0x69: {  	_ =	shalt  }
0x6a: {  	_ =	shalt  }
0x6b: {  	_ =	shalt  }
0x6c: {  	_ =	shalt  }
0x6d: {  	_ =	shalt  }
0x6e: {  	_ =	shalt  }
0x6f: {  	_ =	shalt  }
0x70: {  	_ =	shalt  }
0x71: {  	_ =	shalt  }
0x72: {  	_ =	shalt  }
0x73: {  	_ =	shalt  }
0x74: {  	_ =	shalt  }
0x75: {  	_ =	shalt  }
0x76: {  	_ =	shalt  }
0x77: {  	_ =	shalt  }
0x78: {  	_ =	shalt  }
0x79: {  	_ =	shalt  }
0x7a: {  	_ =	shalt  }
0x7b: {  	_ =	shalt  }
0x7c: {  	_ =	shalt  }
0x7d: {  	_ =	shalt  }
0x7e: {  	_ =	shalt  }
0x7f: {  	_ =	shalt  }
0x80: {  	_ =	shalt  }
0x81: {  	_ =	shalt  }
0x82: {  	_ =	shalt  }
0x83: {  	_ =	shalt  }
0x84: {  	_ =	shalt  }
0x85: {  	_ =	shalt  }
0x86: {  	_ =	shalt  }
0x87: {  	_ =	shalt  }
.Lfunc_end0:
.L_simem_size_0:
called_computation_lowered:
.L_overlay_start_0:
0x88: {  	s2 =	sld [smem:$0x3FD9]  }
0x89: {  	s3 =	sld [smem:$0x3FFE];
	_ =	sdelay $0x1  }
0x8a: {  	s1 =	srdreg.scid  }
0x8b: {  	s0 =	sand.u32 $0x1, s1  }
0x8c: {  	s17 =	sshll.u32 s0, $0xA;
	s2 =	sadd.s32 s3, s2  }
0x8d: {  	s2 =	sadd.s32 s2, s17  }
0x8e: {  	[smem:$0x3FC4] =	sst s2  }
0x8f: {  	_ = 	snop  }
0x90: {  	s2 =	sld [smem:$0x3FC9]  }
0x91: {  	s18 =	sld [smem:$0x3FC8]  }
0x92: {  	s4 =	sld [smem:$0x3FC7]  }
0x93: {  	s5 =	sld [smem:$0x3FC6];
	(tm) =	ssettm $0x1  }
0x94: {  	s6 =	sld [smem:$0x3FFB];
	_ =	sdelay $0x3  }
0x95: {  	_ =	strace s6  }
0x96: {  	s6 =	sld [smem:$0x3FFC];
	_ =	sdelay $0x3  }
0x97: {  	_ =	strace s6  }
0x98: {  	s6 =	sld [smem:$0x3FFD];
	_ =	sdelay $0x3  }
0x99: {  	_ =	strace s6  }
0x9a: {  	_ =	strace $0x8FFFFFFF  }
0x9b: {  	s19 =	sld [smem:$0x3FDB];
	_ =	sdelay $0x1  }
0x9c: {  	s7 =	simm.s32 $_scs_section_size  }
0x9d: {  	s8 =	simm.s32 $_size__tile_overlayer_lowered;
	s9 =	simm.s32 $_tile_overlayer_lowered  }
0x9e: {  	s22 =	simm.s32 $0x1BFF;
	s21 =	sshll.u32 s9, $0x1;
	s6 =	sadd.s32 s7, s19  }
0x9f: {  	s10 =	simm.s32 $0x0;
	s20 =	sshll.u32 s8, $0x1;
	s8 =	sadd.s32 s21, s6  }
0xa0: {  	[timem:s10], [sflag:s22] =	dma.local [hbm:s8], s20  }
0xa1: {  	_ =	swait.ge [sflag:s22], s20  }
0xa2: {  	s7 =	ssub.s32 $0x0, s20;
	[sflag:s22] =	ssyncset.done $0x0  }
0xa3: {  	[sflag:s22] =	ssyncadd.s32 s7;
	_ =	sdelay $0x1  }
0xa4: {  	s23 =	simm.s32 $0x1B8B  }
0xa5: {  	_ =	swait.ge [sflag:s23], $0x1  }
0xa6: {  	[sflag:s23] =	ssyncset.done $0x0  }
0xa7: {  	s25 =	simm.s32 $0x1B8E;
	s24 =	sld [smem:$0x3FFE];
	[sflag:s23] =	ssyncadd.s32 $0xFFFFFFFF  }
0xa8: {  	s26 =	simm.s32 $execute0_lowered;
	[smem:$0x3FD2] =	sst s25  }
0xa9: {  	s8 =	sshll.u32 s26, $0x1;
	_ =	strace $0x80000046;
	[dreg:$0x1] =	wrdreg $0xFFFFFFFF  }
0xaa: {  	s28 =	simm.s32 $_size_execute0_lowered;
	s6 =	sadd.s32 s6, s8;
	[dreg:$0x0] =	wrdreg $0x0  }
0xab: {  	s8 =	sshll.u32 s28, $0x1;
	[dreg:$0x2] =	wrdreg s6  }
0xac: {  	[dreg:$0x3] =	wrdreg s8  }
0xad: {  	[dreg:$0x4] =	wrdreg $0xC0  }
0xae: {  	_ =	task [dreg:s10], $0x5FFFF  }
0xaf: {  	[dreg:$0x1] =	wrdreg $0xFFFFFFFF  }
0xb0: {  	[dreg:$0x0] =	wrdreg $0x60  }
0xb1: {  	[dreg:$0x2] =	wrdreg s2  }
0xb2: {  	[dreg:$0x3] =	wrdreg s4  }
0xb3: {  	[dreg:$0x4] =	wrdreg s18  }
0xb4: {  	[dreg:$0x5] =	wrdreg s5  }
0xb5: {  	[dreg:$0x6] =	wrdreg s24  }
0xb6: {  	[dreg:$0x7] =	wrdreg $0x9  }
0xb7: {  	_ =	task.clear_ibuf [dreg:s10], $0x8FFFF;
	_ =	strace $0x90000046  }
0xb8: {  	s29 =	simm.s32 $0x9;
	_ =	strace $0x80000048  }
0xb9: {  	_ =	swait.ge [sflag:s29], $0x1  }
0xba: {  	[sflag:s29] =	ssyncadd.s32 $0xFFFFFFFF  }
0xbb: {  	_ =	strace $0x90000048  }
0xbc: {  	_ =	sfence  }
0xbd: {  	s30 =	sld [smem:$0x0];
	_ =	sdelay $0x2  }
0xbe: {  	s31 =	sshll.u32 s1, $0xD;
	s1 =	sshrl.u32 s1, $0x2  }
0xbf: {  	s3 =	sand.u32 $0x4000, s31;
	s1 =	sadd.s32 s1, s30  }
0xc0: {  	s0 =	sor.u32 s3, s0;
	s1 =	sshll.u32 s1, $0x11  }
0xc1: {  	s0 =	sor.u32 s1, s0  }
0xc2: {  	s0 =	sadd.s32 $0x8F2B, s0  }
0xc3: {  	[sflag:s0] =	ssyncadd.remote.s32 $0x1  }
0xc4: {  	_ =	sfence.sel $0xFFFF  }
0xc5: {  	[dreg:$0x0] =	wrdreg $0xFFFFFFFF;
	(pc) =	sbr.abs _section_cstart, $3  }
0xc6: {  	[dreg:$0x1] =	wrdreg $0xFFFFFFFF  }
0xc7: {  	_ =	task.clear_ibuf [dreg:s10], $0x2FFFF;
	_ =	strace $0x9FFFFFFF  }
0xc8: {  	(tm) =	ssettm $0x7FFFFFFF  }
0xc9: {  	_ =	shalt  }
tec
execute0_lowered:
.L_overlay_start_1:
0x0: {  	(tag) =	ssettag $0x1  }
0x1: {  	s0 =	srdreg.scid;
	s1 =	stileid.u32  }
0x2: {  	s2 =	sand.u32 $0x1, s0;
	s17 =	sshll.u32 s1, $0x1  }
0x3: {  	s0 =	sor.u32 s2, s17  }
0x4: {  	s1 =	sshll.u32 s0, $0x9  }
0x5: {  	v0 =	vlaneseq.u32;
	v1 =	vmov s1  }
0x6: {  	v34 =	vmul.u32 $0x80, v0;
	s3 =	sor.u32 $0x10, s1;
	s18 =	sor.u32 $0x20, s1;
	s4 =	sor.u32 $0x30, s1;
	v1 =	vshll.u32 v1, $0x7  }
0x7: {  	s19 =	sor.u32 $0x40, s1;
	s20 =	sor.u32 $0x50, s1;
	s21 =	sor.u32 $0x60, s1;
	v2 =	vmov s3;
	v3 =	vmov s18;
	v4 =	vmov s4  }
0x8: {  	s22 =	sor.u32 $0x70, s1;
	s23 =	sor.u32 $0x90, s1;
	s5 =	sor.u32 $0xA0, s1;
	v5 =	vmov s19;
	v6 =	vmov s20;
	v7 =	vmov s21  }
0x9: {  	s6 =	sor.u32 $0xB0, s1;
	s7 =	sor.u32 $0xC0, s1;
	s24 =	sor.u32 $0xD0, s1;
	v8 =	vmov s22;
	v10 =	vmov s23;
	v11 =	vmov s5  }
0xa: {  	s11 =	sor.u32 $0xE0, s1;
	s12 =	sor.u32 $0xF0, s1;
	s8 =	sor.u32 $0x100, s1;
	v12 =	vmov s6;
	v13 =	vmov s7;
	v14 =	vmov s24  }
0xb: {  	s26 =	sor.u32 $0x110, s1;
	s13 =	sor.u32 $0x120, s1;
	s16 =	sor.u32 $0x130, s1;
	v15 =	vmov s11;
	v16 =	vmov s12;
	v17 =	vmov s8  }
0xc: {  	v18 =	vmov s26;
	v19 =	vmov s13;
	v20 =	vmov s16  }
0xd: {  	v1 =	vor.u32 v34, v1;
	v2 =	vshll.u32 v2, $0x7;
	v3 =	vshll.u32 v3, $0x7  }
0xe: {  	s3 =	sor.u32 $0x80, s1;
	v4 =	vshll.u32 v4, $0x7;
	v5 =	vshll.u32 v5, $0x7;
	v6 =	vshll.u32 v6, $0x7  }
0xf: {  	v7 =	vshll.u32 v7, $0x7;
	v8 =	vshll.u32 v8, $0x7;
	v9 =	vmov s3  }
0x10: {  	v10 =	vshll.u32 v10, $0x7;
	v11 =	vshll.u32 v11, $0x7;
	v12 =	vshll.u32 v12, $0x7  }
0x11: {  	v13 =	vshll.u32 v13, $0x7;
	v14 =	vshll.u32 v14, $0x7;
	v15 =	vshll.u32 v15, $0x7  }
0x12: {  	s19 =	sor.u32 $0x140, s1;
	v16 =	vshll.u32 v16, $0x7;
	v17 =	vshll.u32 v17, $0x7;
	v18 =	vshll.u32 v18, $0x7  }
0x13: {  	s20 =	sor.u32 $0x150, s1;
	s22 =	sor.u32 $0x160, s1;
	s23 =	sor.u32 $0x170, s1;
	v19 =	vshll.u32 v19, $0x7;
	v20 =	vshll.u32 v20, $0x7;
	v21 =	vmov s19  }
0x14: {  	s24 =	sor.u32 $0x190, s1;
	s26 =	sor.u32 $0x1B0, s1;
	v22 =	vmov s20;
	v23 =	vmov s22;
	v24 =	vmov s23  }
0x15: {  	v26 =	vmov s24;
	v28 =	vmov s26;
	v2 =	vor.u32 v34, v2  }
0x16: {  	v3 =	vor.u32 v34, v3;
	v4 =	vor.u32 v34, v4;
	v5 =	vor.u32 v34, v5  }
0x17: {  	s9 =	rddreg [dreg:$0x1];
	v6 =	vor.u32 v34, v6;
	v7 =	vor.u32 v34, v7;
	v8 =	vor.u32 v34, v8  }
0x18: {  	s10 =	rddreg [dreg:$0x4];
	s28 =	simm.s32 $0x1BF80;
	s29 =	simm.s32 $0x1BE00;
	v9 =	vshll.u32 v9, $0x7;
	v10 =	vor.u32 v34, v10;
	v11 =	vor.u32 v34, v11  }
0x19: {  	s30 =	simm.s32 $0x1C000;
	s31 =	simm.s32 $0x4000;
	s2 =	ssub.s32 $0x2, s2;
	v12 =	vor.u32 v34, v12;
	v13 =	vor.u32 v34, v13;
	v14 =	vor.u32 v34, v14  }
0x1a: {  	s14 =	sshll.u32 s0, $0xD;
	s15 =	sshll.u32 s0, $0x4;
	s4 =	rddreg [dreg:$0x2];
	v15 =	vor.u32 v34, v15;
	v16 =	vor.u32 v34, v16;
	v17 =	vor.u32 v34, v17  }
0x1b: {  	s17 =	sadd.s32 s14, s10;
	s5 =	rddreg [dreg:$0x3];
	s7 =	simm.s32 $0x0;
	v18 =	vor.u32 v34, v18;
	v19 =	vor.u32 v34, v19;
	v20 =	vor.u32 v34, v20  }
0x1c: {  	s6 =	smul.u32 $0x7A18, s0;
	s18 =	sadd.s32 s15, s10;
	s21 =	sshrl.u32 s2, $0x1;
	v21 =	vshll.u32 v21, $0x7;
	v22 =	vshll.u32 v22, $0x7;
	v23 =	vshll.u32 v23, $0x7  }
0x1d: {  	s19 =	sor.u32 $0x1D0, s1;
	s20 =	sor.u32 $0x1E0, s1;
	s23 =	sor.u32 $0x1F0, s1;
	v24 =	vshll.u32 v24, $0x7;
	v26 =	vshll.u32 v26, $0x7;
	v30 =	vshll.u32 v28, $0x7  }
0x1e: {  	s0 =	sshll.u32 s0, $0x6;
	s16 =	sor.u32 $0x1C0, s1;
	s12 =	sadd.s32 $0x1FC00, s17;
	v32 =	vmov s19;
	v33 =	vmov s20;
	v35 =	vmov s23  }
0x1f: {  	s15 =	simm.s32 $0x3;
	s17 =	simm.s32 $0x80;
	[smem:$0x7FF] =	sst s7;
	v9 =	vor.u32 v34, v9;
	v21 =	vor.u32 v34, v21;
	v22 =	vor.u32 v34, v22  }
0x20: {  	s2 =	ssub.s32 s2, s21;
	s25 =	sshrl.u32 s6, $0x3;
	s24 =	sadd.s32 $0x7A18, s6;
	v23 =	vor.u32 v34, v23;
	v24 =	vor.u32 v34, v24;
	v26 =	vor.u32 v34, v26  }
0x21: {  	s9 =	sadd.s32 s9, s0;
	s11 =	sadd.s32 s25, s10;
	s10 =	sor.u32 $0x180, s1;
	v28 =	vmov s24;
	v30 =	vor.u32 v34, v30;
	v32 =	vshll.u32 v32, $0x7  }
0x22: {  	s13 =	sadd.s32 $0x5FC00, s18;
	s18 =	simm.s32 $0xBA80;
	s25 =	sor.u32 $0x1A0, s1;
	v33 =	vshll.u32 v33, $0x7;
	v35 =	vshll.u32 v35, $0x7;
	v25 =	vmov s10  }
0x23: {  	s22 =	simm.s32 $0x1BC80;
	s26 =	simm.s32 $0x1BD80;
	s0 =	simm.s32 $0x2;
	v27 =	vmov s25;
	v32 =	vor.u32 v34, v32;
	v33 =	vor.u32 v34, v33  }
0x24: {  	_ =	strace $0x80000047;
	s14 =	smax.u32 s2, $0x1;
	s23 =	simm.s32 $0x1BE80;
	v25 =	vshll.u32 v25, $0x7;
	v29 =	vshll.u32 v27, $0x7;
	v27 =	vmov s16  }
0x25: {  	s2 =	simm.s32 $0x1C080;
	s24 =	simm.s32 $0x1BD00;
	s11 =	sadd.s32 $0x1200, s11;
	v25 =	vor.u32 v34, v25;
	v31 =	vshll.u32 v27, $0x7;
	v27 =	vmov s6  }
0x26: {  	s25 =	simm.s32 $0x1BF00;
	s16 =	simm.s32 $0x0;
	v29 =	vor.u32 v34, v29;
	s6 =	simm.s32 $0x1;
	v31 =	vor.u32 v34, v31;
	v34 =	vor.u32 v34, v35  }
.LBB2_1:
0x27: {  	s19 =	rddreg [dreg:$0x0]  }
0x28: {  	[tilespmem:s7], [sflag:$0x3] =	stream.linear.gather [hbm4b:s19+s7], $0x4000, $0x38;
	[tilespmem:$0x1C100] =	vst v63  }
0x29: {  	_ =	swait.ge [sflag:s15], $0x4000  }
0x2a: {  	[sflag:s15] =	ssyncset.done $0x0  }
0x2b: {  	s20 =	simm.s32 $0x1BA80;
	[sflag:s15] =	ssyncadd.s32 $0xFFFFC000  }
0x2c: {  	[tilespmem:s20], [sflag:$0x3] =	stream.linear.gather [hbm4b:s9+s7], $0x200, $0x38;
	[tilespmem:$0x1C100] =	vst v63  }
0x2d: {  	_ =	swait.ge [sflag:s15], $0x200  }
0x2e: {  	[sflag:s15] =	ssyncset.done $0x0  }
0x2f: {  	[sflag:s15] =	ssyncadd.s32 $0xFFFFFE00  }
0x30: {  	[tilespmem:s18], [sflag:$0x1] =	stream.indirect.gather [hbm4b:s5+s17], $0x80, s1, s17, $0xb8;
	[tilespmem:$0x1C100] =	vst v63  }
0x31: {  	s21 =	simm.s32 $0xFA80  }
0x32: {  	[tilespmem:s21], [sflag:$0x1] =	stream.indirect.gather [hbm4b:s5+s17], $0x80, s3, s17, $0xb8;
	[tilespmem:$0x1C100] =	vst v63  }
0x33: {  	s20 =	simm.s32 $0x13A80  }
0x34: {  	[tilespmem:s20], [sflag:$0x1] =	stream.indirect.gather [hbm4b:s5+s17], $0x80, s8, s17, $0xb8;
	[tilespmem:$0x1C100] =	vst v63  }
0x35: {  	s21 =	simm.s32 $0x17A80  }
0x36: {  	[tilespmem:s21], [sflag:$0x1] =	stream.indirect.gather [hbm4b:s5+s17], $0x80, s10, s17, $0xb8;
	[tilespmem:$0x1C100] =	vst v63  }
0x37: {  	v35 =	vld [tilespmem:$0x1BA80]  }
0x38: {  	v36 =	vld [tilespmem:$0x1BA90]  }
0x39: {  	v37 =	vld [tilespmem:$0x1BAA0]  }
0x3a: {  	v38 =	vld [tilespmem:$0x1BAB0]  }
0x3b: {  	v39 =	vld [tilespmem:$0x1BAC0]  }
0x3c: {  	v40 =	vld [tilespmem:$0x1BAD0];
	v35 =	vadd.s32 v1, v35  }
0x3d: {  	v49 =	vld [tilespmem:$0x1BAE0];
	v48 =	vadd.s32 v2, v36;
	[tilespmem:$0x1BC80] =	vst v35  }
0x3e: {  	v51 =	vld [tilespmem:$0x1BAF0];
	v50 =	vadd.s32 v3, v37;
	[tilespmem:$0x1BC90] =	vst v48  }
0x3f: {  	v53 =	vld [tilespmem:$0x1BB00];
	v52 =	vadd.s32 v4, v38;
	[tilespmem:$0x1BCA0] =	vst v50  }
0x40: {  	v55 =	vld [tilespmem:$0x1BB10];
	v54 =	vadd.s32 v5, v39;
	[tilespmem:$0x1BCB0] =	vst v52  }
0x41: {  	v57 =	vld [tilespmem:$0x1BB20];
	v56 =	vadd.s32 v6, v40;
	[tilespmem:$0x1BCC0] =	vst v54  }
0x42: {  	v59 =	vld [tilespmem:$0x1BB30];
	v58 =	vadd.s32 v7, v49;
	[tilespmem:$0x1BCD0] =	vst v56  }
0x43: {  	v61 =	vld [tilespmem:$0x1BB40];
	v60 =	vadd.s32 v8, v51;
	[tilespmem:$0x1BCE0] =	vst v58  }
0x44: {  	v63 =	vld [tilespmem:$0x1BB50];
	v62 =	vadd.s32 v9, v53;
	[tilespmem:$0x1BCF0] =	vst v60  }
0x45: {  	v45 =	vld [tilespmem:$0x1BB60];
	v44 =	vadd.s32 v10, v55;
	[tilespmem:$0x1BD00] =	vst v62  }
0x46: {  	v47 =	vld [tilespmem:$0x1BB70];
	v46 =	vadd.s32 v11, v57;
	[tilespmem:$0x1BD10] =	vst v44  }
0x47: {  	v49 =	vld [tilespmem:$0x1BB80];
	[tilespmem:$0x1BD20] =	vst v46;
	v48 =	vadd.s32 v12, v59  }
0x48: {  	v51 =	vld [tilespmem:$0x1BB90];
	v50 =	vadd.s32 v13, v61;
	[tilespmem:$0x1BD30] =	vst v48  }
0x49: {  	v53 =	vld [tilespmem:$0x1BBA0];
	v52 =	vadd.s32 v14, v63;
	[tilespmem:$0x1BD40] =	vst v50  }
0x4a: {  	v55 =	vld [tilespmem:$0x1BBB0];
	v54 =	vadd.s32 v15, v45;
	[tilespmem:$0x1BD50] =	vst v52  }
0x4b: {  	v57 =	vld [tilespmem:$0x1BBC0];
	v56 =	vadd.s32 v16, v47;
	[tilespmem:$0x1BD60] =	vst v54  }
0x4c: {  	v59 =	vld [tilespmem:$0x1BBD0];
	[tilespmem:$0x1BD70] =	vst v56;
	v58 =	vadd.s32 v17, v49  }
0x4d: {  	v61 =	vld [tilespmem:$0x1BBE0];
	v60 =	vadd.s32 v18, v51;
	[tilespmem:$0x1BD80] =	vst v58  }
0x4e: {  	v63 =	vld [tilespmem:$0x1BBF0];
	v62 =	vadd.s32 v19, v53;
	[tilespmem:$0x1BD90] =	vst v60  }
0x4f: {  	v44 =	vld [tilespmem:$0x1BC00];
	v43 =	vadd.s32 v20, v55;
	[tilespmem:$0x1BDA0] =	vst v62  }
0x50: {  	v46 =	vld [tilespmem:$0x1BC10];
	v45 =	vadd.s32 v21, v57;
	[tilespmem:$0x1BDB0] =	vst v43  }
0x51: {  	v48 =	vld [tilespmem:$0x1BC20];
	[tilespmem:$0x1BDC0] =	vst v45;
	v47 =	vadd.s32 v22, v59  }
0x52: {  	v50 =	vld [tilespmem:$0x1BC30];
	v49 =	vadd.s32 v23, v61;
	[tilespmem:$0x1BDD0] =	vst v47  }
0x53: {  	v52 =	vld [tilespmem:$0x1BC40];
	v51 =	vadd.s32 v24, v63;
	[tilespmem:$0x1BDE0] =	vst v49  }
0x54: {  	v54 =	vld [tilespmem:$0x1BC50];
	v53 =	vadd.s32 v25, v44;
	[tilespmem:$0x1BDF0] =	vst v51  }
0x55: {  	v56 =	vld [tilespmem:$0x1BC60];
	v55 =	vadd.s32 v26, v46;
	[tilespmem:$0x1BE00] =	vst v53  }
0x56: {  	v58 =	vld [tilespmem:$0x1BC70];
	[tilespmem:$0x1BE10] =	vst v55;
	v57 =	vadd.s32 v29, v48  }
0x57: {  	v59 =	vadd.s32 v30, v50;
	[tilespmem:$0x1BE20] =	vst v57  }
0x58: {  	v60 =	vadd.s32 v31, v52;
	[tilespmem:$0x1BE30] =	vst v59  }
0x59: {  	v61 =	vadd.s32 v32, v54;
	[tilespmem:$0x1BE40] =	vst v60  }
0x5a: {  	v62 =	vadd.s32 v33, v56;
	[tilespmem:$0x1BE50] =	vst v61  }
0x5b: {  	[tilespmem:$0x1BE60] =	vst v62;
	v63 =	vadd.s32 v34, v58  }
0x5c: {  	[tilespmem:$0x1BE70] =	vst v63  }
0x5d: {  	[tilespmem:s23], [sflag:$0x2] =	stream.indirect.gather [hbm4b:s4+s17], $0x1, s22, s17, $0xb8;
	[tilespmem:$0x1C100] =	vst v63  }
0x5e: {  	_ = 	snop  }
0x5f: {  	[tilespmem:s25], [sflag:$0x2] =	stream.indirect.gather [hbm4b:s4+s17], $0x1, s24, s17, $0xb8;
	[tilespmem:$0x1C100] =	vst v63  }
0x60: {  	_ = 	snop  }
0x61: {  	[tilespmem:s28], [sflag:$0x2] =	stream.indirect.gather [hbm4b:s4+s17], $0x1, s26, s17, $0xb8;
	[tilespmem:$0x1C100] =	vst v63  }
0x62: {  	s19 =	simm.s32 $0x70;
	s20 =	simm.s32 $0x40  }
0x63: {  	[tilespmem:s30], [sflag:$0x2] =	stream.indirect.gather [hbm4b:s4+s17], $0x1, s29, s17, $0xb8;
	[tilespmem:$0x1C100] =	vst v63  }
.LBB2_2:
0x64: {  	v35 =	vld [tilespmem:s20+$0xFFFFFFC0];
	_ =	sdelay $0x4  }
0x65: {  	vm0 =	vge.s32 v35, v27;
	vm1 =	vlt.s32 v35, v28  }
0x66: {  	vm0 =	vmand vm0, vm1  }
0x67: {  	v35 =	vsub.s32 v35, v27;
	_ =	sdelay $0x2  }
0x68: {  	s21 =	sadd.s32 $0xFFFFFF90, s19  }
0x69: {  	v36 =	vor.u32 s21, v0  }
0x6a: {  	[tilespmem:v35+s31+$0x0] =	vst.idx.msk vm0, v36  }
0x6b: {  	v35 =	vld [tilespmem:s20+$0xFFFFFFD0];
	_ =	sdelay $0x4  }
0x6c: {  	vm14 =	vge.s32 v35, v27;
	vm15 =	vlt.s32 v35, v28  }
0x6d: {  	vm0 =	vmand vm14, vm15  }
0x6e: {  	v35 =	vsub.s32 v35, v27;
	_ =	sdelay $0x2  }
0x6f: {  	s21 =	sadd.s32 $0xFFFFFFA0, s19  }
0x70: {  	v57 =	vor.u32 s21, v0  }
0x71: {  	[tilespmem:v35+s31+$0x0] =	vst.idx.msk vm0, v57  }
0x72: {  	v35 =	vld [tilespmem:s20+$0xFFFFFFE0];
	_ =	sdelay $0x4  }
0x73: {  	vm4 =	vge.s32 v35, v27;
	vm5 =	vlt.s32 v35, v28  }
0x74: {  	vm0 =	vmand vm4, vm5  }
0x75: {  	v35 =	vsub.s32 v35, v27;
	_ =	sdelay $0x2  }
0x76: {  	s21 =	sadd.s32 $0xFFFFFFB0, s19  }
0x77: {  	v58 =	vor.u32 s21, v0  }
0x78: {  	[tilespmem:v35+s31+$0x0] =	vst.idx.msk vm0, v58  }
0x79: {  	v35 =	vld [tilespmem:s20+$0xFFFFFFF0];
	_ =	sdelay $0x4  }
0x7a: {  	vm6 =	vge.s32 v35, v27;
	vm7 =	vlt.s32 v35, v28  }
0x7b: {  	vm0 =	vmand vm6, vm7  }
0x7c: {  	v35 =	vsub.s32 v35, v27;
	_ =	sdelay $0x2  }
0x7d: {  	s21 =	sadd.s32 $0xFFFFFFC0, s19  }
0x7e: {  	v59 =	vor.u32 s21, v0  }
0x7f: {  	[tilespmem:v35+s31+$0x0] =	vst.idx.msk vm0, v59  }
0x80: {  	v35 =	vld [tilespmem:s20+$0x0];
	_ =	sdelay $0x4  }
0x81: {  	vm8 =	vge.s32 v35, v27;
	vm9 =	vlt.s32 v35, v28  }
0x82: {  	vm0 =	vmand vm8, vm9  }
0x83: {  	v35 =	vsub.s32 v35, v27;
	_ =	sdelay $0x2  }
0x84: {  	s21 =	sadd.s32 $0xFFFFFFD0, s19  }
0x85: {  	v60 =	vor.u32 s21, v0  }
0x86: {  	[tilespmem:v35+s31+$0x0] =	vst.idx.msk vm0, v60  }
0x87: {  	v35 =	vld [tilespmem:s20+$0x10];
	_ =	sdelay $0x4  }
0x88: {  	vm10 =	vge.s32 v35, v27;
	vm11 =	vlt.s32 v35, v28  }
0x89: {  	vm0 =	vmand vm10, vm11  }
0x8a: {  	v35 =	vsub.s32 v35, v27;
	_ =	sdelay $0x2  }
0x8b: {  	s21 =	sadd.s32 $0xFFFFFFE0, s19  }
0x8c: {  	v61 =	vor.u32 s21, v0  }
0x8d: {  	[tilespmem:v35+s31+$0x0] =	vst.idx.msk vm0, v61  }
0x8e: {  	v35 =	vld [tilespmem:s20+$0x20];
	_ =	sdelay $0x4  }
0x8f: {  	vm12 =	vge.s32 v35, v27;
	vm13 =	vlt.s32 v35, v28  }
0x90: {  	vm0 =	vmand vm12, vm13  }
0x91: {  	v35 =	vsub.s32 v35, v27;
	_ =	sdelay $0x2  }
0x92: {  	s21 =	sadd.s32 $0xFFFFFFF0, s19  }
0x93: {  	v62 =	vor.u32 s21, v0  }
0x94: {  	[tilespmem:v35+s31+$0x0] =	vst.idx.msk vm0, v62  }
0x95: {  	v35 =	vld [tilespmem:s20+$0x30];
	_ =	sdelay $0x4  }
0x96: {  	vm14 =	vge.s32 v35, v27;
	vm15 =	vlt.s32 v35, v28  }
0x97: {  	vm0 =	vmand vm14, vm15  }
0x98: {  	p0 =	sne.s32 s19, $0x3FF0;
	v35 =	vsub.s32 v35, v27  }
.Ltmp0:
0x99: {  	_ = 	snop;
	(pc) =	sbr.rel @p0 .LBB2_2-.Ltmp0, $3  }
0x9a: {  	_ =	sdelay $0x1  }
0x9b: {  	v63 =	vor.u32 s19, v0  }
0x9c: {  	s19 =	sadd.s32 $0x80, s19;
	s20 =	sadd.s32 $0x80, s20;
	[tilespmem:v35+s31+$0x0] =	vst.idx.msk vm0, v63  }
0x9d: {  	[hbm4b:s11+s7] =	stream.linear.scatter [tilespmem:s31], [sflag:$0x3], $0x7A18, $0x38;
	[tilespmem:$0x1C100] =	vst v63  }
0x9e: {  	_ =	swait.ge [sflag:s15], $0x7A18  }
0x9f: {  	[sflag:s15] =	ssyncset.done $0x0  }
0xa0: {  	[sflag:s15] =	ssyncadd.s32 $0xFFFF85E8  }
0xa1: {  	_ =	swait.ge [sflag:s6], $0x4000  }
0xa2: {  	[sflag:s6] =	ssyncset.done $0x0  }
0xa3: {  	[sflag:s6] =	ssyncadd.s32 $0xFFFFC000  }
0xa4: {  	_ =	swait.ge [sflag:s6], $0x4000  }
0xa5: {  	[sflag:s6] =	ssyncset.done $0x0  }
0xa6: {  	[sflag:s6] =	ssyncadd.s32 $0xFFFFC000  }
0xa7: {  	_ =	swait.ge [sflag:s6], $0x4000  }
0xa8: {  	[sflag:s6] =	ssyncset.done $0x0  }
0xa9: {  	[sflag:s6] =	ssyncadd.s32 $0xFFFFC000  }
0xaa: {  	_ =	swait.ge [sflag:s6], $0x4000  }
0xab: {  	[sflag:s6] =	ssyncset.done $0x0  }
0xac: {  	[sflag:s6] =	ssyncadd.s32 $0xFFFFC000  }
0xad: {  	[hbm4b:s12+s7] =	stream.linear.scatter [tilespmem:s18], [sflag:$0x3], $0x10000, $0x38;
	[tilespmem:$0x1C100] =	vst v63  }
0xae: {  	_ =	swait.ge [sflag:s15], $0x10000  }
0xaf: {  	[sflag:s15] =	ssyncset.done $0x0  }
0xb0: {  	[sflag:s15] =	ssyncadd.s32 $0xFFFF0000  }
0xb1: {  	_ =	swait.ge [sflag:s0], $0x80  }
0xb2: {  	[sflag:s0] =	ssyncset.done $0x0  }
0xb3: {  	[sflag:s0] =	ssyncadd.s32 $0xFFFFFF80  }
0xb4: {  	_ =	swait.ge [sflag:s0], $0x80  }
0xb5: {  	[sflag:s0] =	ssyncset.done $0x0  }
0xb6: {  	[sflag:s0] =	ssyncadd.s32 $0xFFFFFF80  }
0xb7: {  	_ =	swait.ge [sflag:s0], $0x80  }
0xb8: {  	[sflag:s0] =	ssyncset.done $0x0  }
0xb9: {  	[sflag:s0] =	ssyncadd.s32 $0xFFFFFF80  }
0xba: {  	_ =	swait.ge [sflag:s0], $0x80  }
0xbb: {  	[sflag:s0] =	ssyncset.done $0x0  }
0xbc: {  	[sflag:s0] =	ssyncadd.s32 $0xFFFFFF80  }
0xbd: {  	v35 =	vld [tilespmem:$0x1BE80]  }
0xbe: {  	v36 =	vld [tilespmem:$0x1BE90];
	_ =	sdelay $0x1  }
0xbf: {  	v37 =	vld [tilespmem:$0x1BEA0];
	_ =	sdelay $0x1  }
0xc0: {  	v38 =	vld [tilespmem:$0x1BEB0]  }
0xc1: {  	v35 =	vadd.f32 v36, v35  }
0xc2: {  	v60 =	vld [tilespmem:$0x1BEC0]  }
0xc3: {  	v35 =	vadd.f32 v37, v35  }
0xc4: {  	v61 =	vld [tilespmem:$0x1BED0]  }
0xc5: {  	v35 =	vadd.f32 v38, v35  }
0xc6: {  	v62 =	vld [tilespmem:$0x1BEE0]  }
0xc7: {  	v35 =	vadd.f32 v60, v35  }
0xc8: {  	v63 =	vld [tilespmem:$0x1BEF0]  }
0xc9: {  	v35 =	vadd.f32 v61, v35  }
0xca: {  	v40 =	vld [tilespmem:$0x1BF00]  }
0xcb: {  	v35 =	vadd.f32 v62, v35  }
0xcc: {  	v41 =	vld [tilespmem:$0x1BF10]  }
0xcd: {  	v35 =	vadd.f32 v63, v35  }
0xce: {  	v42 =	vld [tilespmem:$0x1BF20]  }
0xcf: {  	v35 =	vadd.f32 v40, v35  }
0xd0: {  	v43 =	vld [tilespmem:$0x1BF30]  }
0xd1: {  	v35 =	vadd.f32 v41, v35  }
0xd2: {  	v44 =	vld [tilespmem:$0x1BF40]  }
0xd3: {  	v35 =	vadd.f32 v42, v35  }
0xd4: {  	v45 =	vld [tilespmem:$0x1BF50]  }
0xd5: {  	v35 =	vadd.f32 v43, v35  }
0xd6: {  	v46 =	vld [tilespmem:$0x1BF60]  }
0xd7: {  	v35 =	vadd.f32 v44, v35  }
0xd8: {  	v47 =	vld [tilespmem:$0x1BF70]  }
0xd9: {  	v35 =	vadd.f32 v45, v35  }
0xda: {  	v48 =	vld [tilespmem:$0x1BF80]  }
0xdb: {  	v35 =	vadd.f32 v46, v35  }
0xdc: {  	v49 =	vld [tilespmem:$0x1BF90]  }
0xdd: {  	v35 =	vadd.f32 v47, v35  }
0xde: {  	v50 =	vld [tilespmem:$0x1BFA0]  }
0xdf: {  	v35 =	vadd.f32 v48, v35  }
0xe0: {  	v51 =	vld [tilespmem:$0x1BFB0]  }
0xe1: {  	v35 =	vadd.f32 v49, v35  }
0xe2: {  	v52 =	vld [tilespmem:$0x1BFC0]  }
0xe3: {  	v35 =	vadd.f32 v50, v35  }
0xe4: {  	v53 =	vld [tilespmem:$0x1BFD0]  }
0xe5: {  	v35 =	vadd.f32 v51, v35  }
0xe6: {  	v54 =	vld [tilespmem:$0x1BFE0]  }
0xe7: {  	v35 =	vadd.f32 v52, v35  }
0xe8: {  	v55 =	vld [tilespmem:$0x1BFF0]  }
0xe9: {  	v35 =	vadd.f32 v53, v35  }
0xea: {  	v56 =	vld [tilespmem:$0x1C000]  }
0xeb: {  	v35 =	vadd.f32 v54, v35  }
0xec: {  	v57 =	vld [tilespmem:$0x1C010]  }
0xed: {  	v35 =	vadd.f32 v55, v35  }
0xee: {  	v58 =	vld [tilespmem:$0x1C020]  }
0xef: {  	v35 =	vadd.f32 v56, v35  }
0xf0: {  	v59 =	vld [tilespmem:$0x1C030]  }
0xf1: {  	v35 =	vadd.f32 v57, v35  }
0xf2: {  	v60 =	vld [tilespmem:$0x1C040]  }
0xf3: {  	v35 =	vadd.f32 v58, v35  }
0xf4: {  	v61 =	vld [tilespmem:$0x1C050]  }
0xf5: {  	v35 =	vadd.f32 v59, v35  }
0xf6: {  	v62 =	vld [tilespmem:$0x1C060]  }
0xf7: {  	v35 =	vadd.f32 v60, v35  }
0xf8: {  	v63 =	vld [tilespmem:$0x1C070]  }
0xf9: {  	v35 =	vadd.f32 v61, v35;
	_ =	sdelay $0x1  }
0xfa: {  	v35 =	vadd.f32 v62, v35;
	_ =	sdelay $0x1  }
0xfb: {  	s16 =	sadd.s32 $0x1, s16;
	v35 =	vadd.f32 v63, v35  }
0xfc: {  	p0 =	sne.s32 s16, s14  }
.Ltmp1:
0xfd: {  	[tilespmem:$0x1C080] =	vst v35;
	(pc) =	sbr.rel @p0 .LBB2_1-.Ltmp1, $4  }
0xfe: {  	[hbm4b:s13+s7] =	stream.linear.scatter [tilespmem:s2], [sflag:$0x3], $0x80, $0x38;
	[tilespmem:$0x1C100] =	vst v63  }
0xff: {  	_ =	swait.ge [sflag:s15], $0x80  }
0x100: {  	[sflag:s15] =	ssyncset.done $0x0  }
0x101: {  	[sflag:s15] =	ssyncadd.s32 $0xFFFFFF80  }
0x102: {  	_ =	sfence.sel $0x180000  }
0x103: {  	[bflag:$0x0] =	sbarrier.arrive $0xFFFF  }
0x104: {  	_ =	strace $0x90000047  }
0x105: {  	s0 =	stileid.u32;
	[bflag:$0x2] =	sbarrier.arrive $0xFFFF  }
0x106: {  	p0 =	sne.s32 s0, $0x0;
	s0 =	rddreg [dreg:$0x5]  }
0x107: {  	s0 =	sadd.s32 @!p0 $0x100000, s0  }
0x108: {  	[sflag:s0] =	ssyncadd.tile.s32 @!p0 $0x1;
	_ =	shalt  }
.Lfunc_end2:
_tile_overlayer_lowered:
.L_overlay_start_2:
0x109: {  	(tag) =	ssettag $0x2  }
0x10a: {  	s0 =	rddreg [dreg:$0x0];
	s2 =	stileid.u32  }
0x10b: {  	s1 =	rddreg [dreg:$0x1];
	p0 =	sne.s32 s2, $0x0  }
0x10c: {  	s3 =	rddreg [dreg:$0x2];
	[bflag:$0x3] =	sbarrier.arrive $0xFFFF;
	s2 =	simm.s32 @!p0 $0x1C03  }
0x10d: {  	[timem:s3], [sflag:s2] =	dma.local @!p0 [hbm:s0], s1  }
0x10e: {  	s0 =	simm.s32 @!p0 $0x3  }
0x10f: {  	_ =	swait.ge @!p0 [sflag:s0], s1  }
0x110: {  	s1 =	ssub.s32 @!p0 $0x0, s1;
	[sflag:s0] =	ssyncset.done @!p0 $0x0  }
0x111: {  	[sflag:s0] =	ssyncadd.s32 @!p0 s1  }
0x112: {  	[bflag:$0x3] =	sbarrier.arrive $0xFFFF  }
0x113: {  	_ =	shalt  }

// kernel: kernel.8.cloned.1.call-start
scs
__scs_entry_jumppad:
0x0: {  	(pc) =	sbr.rel $0x88, $3  }
0x1: {  	(tag) =	ssettag $0x0;
	lr =	simm.s32 $0x1  }
0x2: {  	[smem:$0x3F9D] =	sst lr;
	_ =	strace $0xD0000000  }
0x3: {  	_ = 	snop  }
0x4: {  	_ = 	snop  }
0x5: {  	_ = 	snop  }
0x6: {  	_ = 	snop  }
0x7: {  	_ = 	snop  }
__scs_overlays_trampoline_lowered:
0x8: {  	[smem:$0x3FAC] =	sst s0  }
0x9: {  	[smem:$0x3FAD] =	sst s1  }
0xa: {  	[smem:$0x3FAE] =	sst s2  }
0xb: {  	[smem:$0x3FAF] =	sst s3  }
0xc: {  	[smem:$0x3FB0] =	sst s4  }
0xd: {  	[smem:$0x3FB1] =	sst s5  }
0xe: {  	[smem:$0x3FB2] =	sst s6  }
0xf: {  	[smem:$0x3FB3] =	sst s7  }
0x10: {  	[smem:$0x3FB4] =	sst s8  }
0x11: {  	[smem:$0x3FB5] =	sst s9;
	s0 =	simm.s32 @!p0 $0x0  }
0x12: {  	s1 =	sld [smem:$0x3F9B];
	s0 =	simm.s32 @p0 $0x1  }
0x13: {  	[smem:$0x3FB6] =	sst s0;
	s0 =	simm.s32 @!p1 $0x0  }
0x14: {  	s2 =	sld [smem:$0x3F9A];
	s0 =	simm.s32 @p1 $0x1  }
0x15: {  	[smem:$0x3FB7] =	sst s0;
	s0 =	simm.s32 @!p2 $0x0  }
0x16: {  	s3 =	sld [smem:$0x3FDB];
	s0 =	simm.s32 @p2 $0x1  }
0x17: {  	s4 =	simm.s32 $0x1BF5;
	[smem:$0x3FB9] =	sst s0  }
0x18: {  	s0 =	sld [smem:$0x3F9C];
	_ =	swait.ge [sflag:s4], $0x0  }
0x19: {  	s7 =	sld [smem:$0x3F9D]  }
0x1a: {  	s8 =	sadd.s32 $0xFFFFE003, lr  }
0x1b: {  	s9 =	sadd.s32 $0xFFFFFEF7, lr;
	s5 =	simm.s32 $0xFFFFFFFF;
	p2 =	slt.u32 s8, $0xFFFFF086  }
0x1c: {  	p1 =	slt.u32 s9, $0xF7A;
	s5 =	simm.s32 @!p2 $0x0  }
0x1d: {  	s5 =	simm.s32 @p1 $0x1;
	p0 =	seq.s32 s7, s2  }
0x1e: {  	s7 =	smul.u32 @!p0 $0xF7A, s2;
	p2 =	seq.s32 @!p0 s5, $0x0  }
0x1f: {  	s9 =	smul.u32 $0xF7A, s1;
	s8 =	simm.s32 @!p0 $0x1BF5;
	p2 =	por !p2, p0  }
0x20: {  	[sflag:s8] =	ssyncset.s32 @!p0 $0xFFFFF086;
	s6 =	sadd.s32 @!p0 s3, s7;
	s7 =	simm.s32 @!p0 $0x108  }
0x21: {  	s3 =	sadd.s32 s3, s9;
	s6 =	sadd.s32 @!p0 $0x88, s6;
	s7 =	simm.s32 @p2 $0x1082  }
0x22: {  	[simem:s7], [sflag:s8] =	dma.local @!p0 [hbm:s6], $0xF7A  }
0x23: {  	s9 =	sor.u32 $0xD0000000, s2;
	s6 =	simm.s32 $0x108;
	_ =	swait.ge @!p0 [sflag:s8], $0x0  }
0x24: {  	s3 =	sadd.s32 $0x88, s3;
	s6 =	simm.s32 @!p1 $0x1082;
	[sflag:s4] =	ssyncset.s32 $0xFFFFF086  }
0x25: {  	[simem:s6], [sflag:s4] =	dma.local [hbm:s3], $0xF7A  }
0x26: {  	[smem:$0x3F9D] =	sst s1;
	(tag) =	ssettag s2;
	_ =	strace s9  }
0x27: {  	s1 =	sld [smem:$0x3FAD]  }
0x28: {  	s2 =	sld [smem:$0x3FAE]  }
0x29: {  	s4 =	sld [smem:$0x3FB0]  }
0x2a: {  	p0 =	seq.s32 s5, $0x0;
	s5 =	sld [smem:$0x3FB1]  }
0x2b: {  	s6 =	sld [smem:$0x3FB2]  }
0x2c: {  	s7 =	sld [smem:$0x3FB3]  }
0x2d: {  	s3 =	simm.s32 $0x108;
	s8 =	sld [smem:$0x3FB4]  }
0x2e: {  	s3 =	simm.s32 @!p0 $0x1082;
	s9 =	sld [smem:$0x3FB5]  }
0x2f: {  	lr =	sadd.s32 s0, s3;
	s0 =	sld [smem:$0x3FAC]  }
0x30: {  	s3 =	sld [smem:$0x3FAF]  }
0x31: {  	[smem:$0x3FB8] =	sst s10  }
0x32: {  	s10 =	sld [smem:$0x3FB6];
	_ =	sdelay $0x3  }
0x33: {  	p0 =	seq.s32 s10, $0x1;
	s10 =	sld [smem:$0x3FB8];
	_ =	sdelay $0x3  }
0x34: {  	[smem:$0x3FB8] =	sst s10  }
0x35: {  	s10 =	sld [smem:$0x3FB7];
	_ =	sdelay $0x3  }
0x36: {  	p1 =	seq.s32 s10, $0x1;
	s10 =	sld [smem:$0x3FB8];
	_ =	sdelay $0x3  }
0x37: {  	[smem:$0x3FB8] =	sst s10  }
0x38: {  	s10 =	sld [smem:$0x3FB9]  }
0x39: {  	_ = 	snop;
	(pc) =	sbr.ind lr, $3  }
0x3a: {  	_ = 	snop  }
0x3b: {  	_ = 	snop  }
0x3c: {  	p2 =	seq.s32 s10, $0x1;
	s10 =	sld [smem:$0x3FB8]  }
0x3d: {  	_ =	shalt  }
0x3e: {  	_ =	shalt  }
0x3f: {  	_ =	shalt  }
0x40: {  	_ =	shalt  }
0x41: {  	_ =	shalt  }
0x42: {  	_ =	shalt  }
0x43: {  	_ =	shalt  }
0x44: {  	_ =	shalt  }
0x45: {  	_ =	shalt  }
0x46: {  	_ =	shalt  }
0x47: {  	_ =	shalt  }
0x48: {  	_ =	shalt  }
0x49: {  	_ =	shalt  }
0x4a: {  	_ =	shalt  }
0x4b: {  	_ =	shalt  }
0x4c: {  	_ =	shalt  }
0x4d: {  	_ =	shalt  }
0x4e: {  	_ =	shalt  }
0x4f: {  	_ =	shalt  }
0x50: {  	_ =	shalt  }
0x51: {  	_ =	shalt  }
0x52: {  	_ =	shalt  }
0x53: {  	_ =	shalt  }
0x54: {  	_ =	shalt  }
0x55: {  	_ =	shalt  }
0x56: {  	_ =	shalt  }
0x57: {  	_ =	shalt  }
0x58: {  	_ =	shalt  }
0x59: {  	_ =	shalt  }
0x5a: {  	_ =	shalt  }
0x5b: {  	_ =	shalt  }
0x5c: {  	_ =	shalt  }
0x5d: {  	_ =	shalt  }
0x5e: {  	_ =	shalt  }
0x5f: {  	_ =	shalt  }
0x60: {  	_ =	shalt  }
0x61: {  	_ =	shalt  }
0x62: {  	_ =	shalt  }
0x63: {  	_ =	shalt  }
0x64: {  	_ =	shalt  }
0x65: {  	_ =	shalt  }
0x66: {  	_ =	shalt  }
0x67: {  	_ =	shalt  }
0x68: {  	_ =	shalt  }
0x69: {  	_ =	shalt  }
0x6a: {  	_ =	shalt  }
0x6b: {  	_ =	shalt  }
0x6c: {  	_ =	shalt  }
0x6d: {  	_ =	shalt  }
0x6e: {  	_ =	shalt  }
0x6f: {  	_ =	shalt  }
0x70: {  	_ =	shalt  }
0x71: {  	_ =	shalt  }
0x72: {  	_ =	shalt  }
0x73: {  	_ =	shalt  }
0x74: {  	_ =	shalt  }
0x75: {  	_ =	shalt  }
0x76: {  	_ =	shalt  }
0x77: {  	_ =	shalt  }
0x78: {  	_ =	shalt  }
0x79: {  	_ =	shalt  }
0x7a: {  	_ =	shalt  }
0x7b: {  	_ =	shalt  }
0x7c: {  	_ =	shalt  }
0x7d: {  	_ =	shalt  }
0x7e: {  	_ =	shalt  }
0x7f: {  	_ =	shalt  }
0x80: {  	_ =	shalt  }
0x81: {  	_ =	shalt  }
0x82: {  	_ =	shalt  }
0x83: {  	_ =	shalt  }
0x84: {  	_ =	shalt  }
0x85: {  	_ =	shalt  }
0x86: {  	_ =	shalt  }
0x87: {  	_ =	shalt  }
.Lfunc_end0:
.L_simem_size_0:
called_computation.1_lowered:
.L_overlay_start_0:
0x88: {  	s2 =	sld [smem:$0x3FD9]  }
0x89: {  	s3 =	sld [smem:$0x3FFE];
	_ =	sdelay $0x1  }
0x8a: {  	s1 =	srdreg.scid  }
0x8b: {  	s0 =	sand.u32 $0x1, s1  }
0x8c: {  	s17 =	sshll.u32 s0, $0xA;
	s2 =	sadd.s32 s3, s2  }
0x8d: {  	s2 =	sadd.s32 s2, s17  }
0x8e: {  	[smem:$0x3FC4] =	sst s2  }
0x8f: {  	_ = 	snop  }
0x90: {  	s2 =	sld [smem:$0x3FC9]  }
0x91: {  	s18 =	sld [smem:$0x3FC8];
	(tm) =	ssettm $0x1  }
0x92: {  	s4 =	sld [smem:$0x3FFB];
	_ =	sdelay $0x3  }
0x93: {  	_ =	strace s4  }
0x94: {  	s4 =	sld [smem:$0x3FFC];
	_ =	sdelay $0x3  }
0x95: {  	_ =	strace s4  }
0x96: {  	s4 =	sld [smem:$0x3FFD];
	_ =	sdelay $0x3  }
0x97: {  	_ =	strace s4  }
0x98: {  	_ =	strace $0x8FFFFFFF  }
0x99: {  	s19 =	sld [smem:$0x3FDB];
	_ =	sdelay $0x1  }
0x9a: {  	s5 =	simm.s32 $_scs_section_size  }
0x9b: {  	s6 =	simm.s32 $_size__tile_overlayer_lowered;
	s7 =	simm.s32 $_tile_overlayer_lowered  }
0x9c: {  	s22 =	simm.s32 $0x1BFF;
	s21 =	sshll.u32 s7, $0x1;
	s4 =	sadd.s32 s5, s19  }
0x9d: {  	s8 =	simm.s32 $0x0;
	s20 =	sshll.u32 s6, $0x1;
	s6 =	sadd.s32 s21, s4  }
0x9e: {  	[timem:s8], [sflag:s22] =	dma.local [hbm:s6], s20  }
0x9f: {  	_ =	swait.ge [sflag:s22], s20  }
0xa0: {  	s5 =	ssub.s32 $0x0, s20;
	[sflag:s22] =	ssyncset.done $0x0  }
0xa1: {  	[sflag:s22] =	ssyncadd.s32 s5;
	_ =	sdelay $0x1  }
0xa2: {  	s23 =	simm.s32 $0x1B8B  }
0xa3: {  	_ =	swait.ge [sflag:s23], $0x1  }
0xa4: {  	[sflag:s23] =	ssyncset.done $0x0  }
0xa5: {  	s25 =	simm.s32 $0x1B8E;
	s24 =	sld [smem:$0x3FFE];
	[sflag:s23] =	ssyncadd.s32 $0xFFFFFFFF  }
0xa6: {  	s26 =	simm.s32 $execute0_lowered;
	[smem:$0x3FD2] =	sst s25  }
0xa7: {  	s6 =	sshll.u32 s26, $0x1;
	_ =	strace $0x80000049;
	[dreg:$0x1] =	wrdreg $0xFFFFFFFF  }
0xa8: {  	s28 =	simm.s32 $_size_execute0_lowered;
	s4 =	sadd.s32 s4, s6;
	[dreg:$0x0] =	wrdreg $0x0  }
0xa9: {  	s6 =	sshll.u32 s28, $0x1;
	[dreg:$0x2] =	wrdreg s4  }
0xaa: {  	[dreg:$0x3] =	wrdreg s6  }
0xab: {  	[dreg:$0x4] =	wrdreg $0xC0  }
0xac: {  	_ =	task [dreg:s8], $0x5FFFF  }
0xad: {  	[dreg:$0x1] =	wrdreg $0xFFFFFFFF  }
0xae: {  	[dreg:$0x0] =	wrdreg $0x60  }
0xaf: {  	[dreg:$0x2] =	wrdreg s2  }
0xb0: {  	[dreg:$0x3] =	wrdreg s24  }
0xb1: {  	[dreg:$0x4] =	wrdreg s18  }
0xb2: {  	[dreg:$0x5] =	wrdreg $0x9  }
0xb3: {  	_ =	task.clear_ibuf [dreg:s8], $0x6FFFF;
	_ =	strace $0x90000049  }
0xb4: {  	s29 =	simm.s32 $0x9;
	_ =	strace $0x8000004B  }
0xb5: {  	_ =	swait.ge [sflag:s29], $0x1  }
0xb6: {  	[sflag:s29] =	ssyncadd.s32 $0xFFFFFFFF  }
0xb7: {  	_ =	strace $0x9000004B  }
0xb8: {  	_ =	sfence  }
0xb9: {  	s30 =	sld [smem:$0x0];
	_ =	sdelay $0x2  }
0xba: {  	s31 =	sshll.u32 s1, $0xD;
	s1 =	sshrl.u32 s1, $0x2  }
0xbb: {  	s3 =	sand.u32 $0x4000, s31;
	s1 =	sadd.s32 s1, s30  }
0xbc: {  	s0 =	sor.u32 s3, s0;
	s1 =	sshll.u32 s1, $0x11  }
0xbd: {  	s0 =	sor.u32 s1, s0  }
0xbe: {  	s0 =	sadd.s32 $0x8F2B, s0  }
0xbf: {  	[sflag:s0] =	ssyncadd.remote.s32 $0x1  }
0xc0: {  	_ =	sfence.sel $0xFFFF  }
0xc1: {  	[dreg:$0x0] =	wrdreg $0xFFFFFFFF;
	(pc) =	sbr.abs _section_cstart, $3  }
0xc2: {  	[dreg:$0x1] =	wrdreg $0xFFFFFFFF  }
0xc3: {  	_ =	task.clear_ibuf [dreg:s8], $0x2FFFF;
	_ =	strace $0x9FFFFFFF  }
0xc4: {  	(tm) =	ssettm $0x7FFFFFFF  }
0xc5: {  	_ =	shalt  }
tec
execute0_lowered:
.L_overlay_start_1:
0x0: {  	(tag) =	ssettag $0x1  }
0x1: {  	s4 =	rddreg [dreg:$0x0];
	s1 =	srdreg.scid  }
0x2: {  	s23 =	rddreg [dreg:$0x1];
	s0 =	stileid.u32;
	s24 =	sand.u32 $0x1, s1  }
0x3: {  	s2 =	rddreg [dreg:$0x2];
	s5 =	sshll.u32 s0, $0xA;
	s6 =	sshll.u32 s24, $0x9  }
0x4: {  	s3 =	simm.s32 $0x0;
	s1 =	rddreg [dreg:$0x3];
	s25 =	sor.u32 s6, s5  }
0x5: {  	[smem:$0x7FF] =	sst s3;
	s5 =	sshrl.u32 s25, $0x3  }
0x6: {  	_ =	strace $0x8000004A;
	s5 =	sadd.s32 s4, s5;
	s4 =	simm.s32 $0x6  }
0x7: {  	[tilespmem:s3], [sflag:$0x6] =	stream.linear.gather [hbm4b:s5+s3], $0x200, $0x38;
	[tilespmem:$0x10400] =	vst v63  }
0x8: {  	_ =	swait.ge [sflag:s4], $0x200  }
0x9: {  	s7 =	simm.s32 $0x80;
	[sflag:s4] =	ssyncset.done $0x0  }
0xa: {  	s8 =	simm.s32 $0x200;
	s6 =	sadd.s32 $0x1200, s23;
	[sflag:s4] =	ssyncadd.s32 $0xFFFFFE00  }
0xb: {  	[tilespmem:s8], [sflag:$0x2] =	stream.indirect.gather [hbm4b:s6+s7], $0x1, s3, s7, $0xb8;
	[tilespmem:$0x10400] =	vst v63  }
0xc: {  	s9 =	simm.s32 $0x280  }
0xd: {  	[tilespmem:s9], [sflag:$0x3] =	stream.indirect.gather [hbm4b:s6+s7], $0x1, s7, s7, $0xb8;
	[tilespmem:$0x10400] =	vst v63  }
0xe: {  	s10 =	simm.s32 $0x100;
	s11 =	simm.s32 $0x300  }
0xf: {  	[tilespmem:s11], [sflag:$0x4] =	stream.indirect.gather [hbm4b:s6+s7], $0x1, s10, s7, $0xb8;
	[tilespmem:$0x10400] =	vst v63  }
0x10: {  	s12 =	simm.s32 $0x180;
	s13 =	simm.s32 $0x380;
	s14 =	simm.s32 $0x2  }
0x11: {  	[tilespmem:s13], [sflag:$0x5] =	stream.indirect.gather [hbm4b:s6+s7], $0x1, s12, s7, $0xb8;
	[tilespmem:$0x10400] =	vst v63  }
0x12: {  	_ =	swait.ge [sflag:s14], $0x80  }
0x13: {  	[sflag:s14] =	ssyncset.done $0x0  }
0x14: {  	s15 =	simm.s32 $0x400;
	s16 =	simm.s32 $0x3;
	[sflag:s14] =	ssyncadd.s32 $0xFFFFFF80  }
0x15: {  	[tilespmem:s15], [sflag:$0x1] =	stream.indirect.gather [hbm4b:s2+s7], $0x80, s8, s7, $0xb8;
	[tilespmem:$0x10400] =	vst v63  }
0x16: {  	_ =	swait.ge [sflag:s16], $0x80  }
0x17: {  	[sflag:s16] =	ssyncset.done $0x0  }
0x18: {  	s17 =	simm.s32 $0x4400;
	s18 =	simm.s32 $0x4;
	[sflag:s16] =	ssyncadd.s32 $0xFFFFFF80  }
0x19: {  	[tilespmem:s17], [sflag:$0x1] =	stream.indirect.gather [hbm4b:s2+s7], $0x80, s9, s7, $0xb8;
	[tilespmem:$0x10400] =	vst v63  }
0x1a: {  	_ =	swait.ge [sflag:s18], $0x80  }
0x1b: {  	[sflag:s18] =	ssyncset.done $0x0  }
0x1c: {  	s19 =	simm.s32 $0x8400;
	s20 =	simm.s32 $0x5;
	[sflag:s18] =	ssyncadd.s32 $0xFFFFFF80  }
0x1d: {  	[tilespmem:s19], [sflag:$0x1] =	stream.indirect.gather [hbm4b:s2+s7], $0x80, s11, s7, $0xb8;
	[tilespmem:$0x10400] =	vst v63  }
0x1e: {  	_ =	swait.ge [sflag:s20], $0x80  }
0x1f: {  	[sflag:s20] =	ssyncset.done $0x0  }
0x20: {  	s21 =	simm.s32 $0xC400;
	s22 =	simm.s32 $0x1;
	[sflag:s20] =	ssyncadd.s32 $0xFFFFFF80  }
0x21: {  	[tilespmem:s21], [sflag:$0x1] =	stream.indirect.gather [hbm4b:s2+s7], $0x80, s13, s7, $0xb8;
	[tilespmem:$0x10400] =	vst v63  }
0x22: {  	_ =	swait.ge [sflag:s22], $0x4000  }
0x23: {  	[sflag:s22] =	ssyncset.done $0x0  }
0x24: {  	[sflag:s22] =	ssyncadd.s32 $0xFFFFC000  }
0x25: {  	_ =	swait.ge [sflag:s22], $0x4000  }
0x26: {  	[sflag:s22] =	ssyncset.done $0x0  }
0x27: {  	s24 =	ssub.s32 $0x2, s24;
	[sflag:s22] =	ssyncadd.s32 $0xFFFFC000  }
0x28: {  	s26 =	sshrl.u32 s24, $0x1;
	_ =	swait.ge [sflag:s22], $0x4000  }
0x29: {  	s24 =	ssub.s32 s24, s26;
	[sflag:s22] =	ssyncset.done $0x0  }
0x2a: {  	s24 =	smax.u32 s24, $0x1;
	[sflag:s22] =	ssyncadd.s32 $0xFFFFC000  }
0x2b: {  	s25 =	sshll.u32 s25, $0x4;
	p0 =	sne.s32 s24, $0x1;
	_ =	swait.ge [sflag:s22], $0x4000  }
.Ltmp0:
0x2c: {  	s23 =	sadd.s32 s25, s23;
	[sflag:s22] =	ssyncset.done $0x0;
	(pc) =	sbr.rel @!p0 .LBB2_2-.Ltmp0, $4  }
0x2d: {  	s23 =	sadd.s32 $0x5FE00, s23;
	[sflag:s22] =	ssyncadd.s32 $0xFFFFC000  }
0x2e: {  	[hbm4b:s23+s3] =	stream.linear.scatter [tilespmem:s15], [sflag:$0x6], $0x10000, $0x38;
	[tilespmem:$0x10400] =	vst v63  }
0x2f: {  	_ =	swait.ge [sflag:s4], $0x10000  }
0x30: {  	s24 =	sadd.s32 $0xFFFFFFFF, s24;
	[sflag:s4] =	ssyncset.done $0x0  }
.LBB2_1:
0x31: {  	p0 =	sne.s32 s24, $0x1;
	s24 =	sadd.s32 $0xFFFFFFFF, s24;
	[sflag:s4] =	ssyncadd.s32 $0xFFFF0000  }
0x32: {  	[tilespmem:s3], [sflag:$0x6] =	stream.linear.gather [hbm4b:s5+s3], $0x200, $0x38;
	[tilespmem:$0x10400] =	vst v63  }
0x33: {  	_ =	swait.ge [sflag:s4], $0x200  }
0x34: {  	[sflag:s4] =	ssyncset.done $0x0  }
0x35: {  	[sflag:s4] =	ssyncadd.s32 $0xFFFFFE00  }
0x36: {  	[tilespmem:s8], [sflag:$0x2] =	stream.indirect.gather [hbm4b:s6+s7], $0x1, s3, s7, $0xb8;
	[tilespmem:$0x10400] =	vst v63  }
0x37: {  	_ = 	snop  }
0x38: {  	[tilespmem:s9], [sflag:$0x3] =	stream.indirect.gather [hbm4b:s6+s7], $0x1, s7, s7, $0xb8;
	[tilespmem:$0x10400] =	vst v63  }
0x39: {  	_ = 	snop  }
0x3a: {  	[tilespmem:s11], [sflag:$0x4] =	stream.indirect.gather [hbm4b:s6+s7], $0x1, s10, s7, $0xb8;
	[tilespmem:$0x10400] =	vst v63  }
0x3b: {  	_ = 	snop  }
0x3c: {  	[tilespmem:s13], [sflag:$0x5] =	stream.indirect.gather [hbm4b:s6+s7], $0x1, s12, s7, $0xb8;
	[tilespmem:$0x10400] =	vst v63  }
0x3d: {  	_ =	swait.ge [sflag:s14], $0x80  }
0x3e: {  	[sflag:s14] =	ssyncset.done $0x0  }
0x3f: {  	[sflag:s14] =	ssyncadd.s32 $0xFFFFFF80  }
0x40: {  	[tilespmem:s15], [sflag:$0x1] =	stream.indirect.gather [hbm4b:s2+s7], $0x80, s8, s7, $0xb8;
	[tilespmem:$0x10400] =	vst v63  }
0x41: {  	_ =	swait.ge [sflag:s16], $0x80  }
0x42: {  	[sflag:s16] =	ssyncset.done $0x0  }
0x43: {  	[sflag:s16] =	ssyncadd.s32 $0xFFFFFF80  }
0x44: {  	[tilespmem:s17], [sflag:$0x1] =	stream.indirect.gather [hbm4b:s2+s7], $0x80, s9, s7, $0xb8;
	[tilespmem:$0x10400] =	vst v63  }
0x45: {  	_ =	swait.ge [sflag:s18], $0x80  }
0x46: {  	[sflag:s18] =	ssyncset.done $0x0  }
0x47: {  	[sflag:s18] =	ssyncadd.s32 $0xFFFFFF80  }
0x48: {  	[tilespmem:s19], [sflag:$0x1] =	stream.indirect.gather [hbm4b:s2+s7], $0x80, s11, s7, $0xb8;
	[tilespmem:$0x10400] =	vst v63  }
0x49: {  	_ =	swait.ge [sflag:s20], $0x80  }
0x4a: {  	[sflag:s20] =	ssyncset.done $0x0  }
0x4b: {  	[sflag:s20] =	ssyncadd.s32 $0xFFFFFF80  }
0x4c: {  	[tilespmem:s21], [sflag:$0x1] =	stream.indirect.gather [hbm4b:s2+s7], $0x80, s13, s7, $0xb8;
	[tilespmem:$0x10400] =	vst v63  }
0x4d: {  	_ =	swait.ge [sflag:s22], $0x4000  }
0x4e: {  	[sflag:s22] =	ssyncset.done $0x0  }
0x4f: {  	[sflag:s22] =	ssyncadd.s32 $0xFFFFC000  }
0x50: {  	_ =	swait.ge [sflag:s22], $0x4000  }
0x51: {  	[sflag:s22] =	ssyncset.done $0x0  }
0x52: {  	[sflag:s22] =	ssyncadd.s32 $0xFFFFC000  }
0x53: {  	_ =	swait.ge [sflag:s22], $0x4000  }
0x54: {  	[sflag:s22] =	ssyncset.done $0x0  }
0x55: {  	[sflag:s22] =	ssyncadd.s32 $0xFFFFC000  }
0x56: {  	_ =	swait.ge [sflag:s22], $0x4000  }
.Ltmp1:
0x57: {  	[sflag:s22] =	ssyncset.done $0x0;
	(pc) =	sbr.rel @p0 .LBB2_1-.Ltmp1, $4  }
0x58: {  	[sflag:s22] =	ssyncadd.s32 $0xFFFFC000  }
0x59: {  	[hbm4b:s23+s3] =	stream.linear.scatter [tilespmem:s15], [sflag:$0x6], $0x10000, $0x38;
	[tilespmem:$0x10400] =	vst v63  }
0x5a: {  	_ =	swait.ge [sflag:s4], $0x10000  }
0x5b: {  	[sflag:s4] =	ssyncset.done $0x0  }
.LBB2_2:
0x5c: {  	[sflag:s4] =	ssyncadd.s32 $0xFFFF0000  }
0x5d: {  	_ =	sfence.sel $0x180000  }
0x5e: {  	[bflag:$0x0] =	sbarrier.arrive $0xFFFF  }
0x5f: {  	p0 =	sne.s32 s0, $0x0;
	_ =	strace $0x9000004A  }
0x60: {  	s0 =	sadd.s32 @!p0 $0x100000, s1;
	[bflag:$0x2] =	sbarrier.arrive $0xFFFF  }
0x61: {  	[sflag:s0] =	ssyncadd.tile.s32 @!p0 $0x1;
	_ =	shalt  }
.Lfunc_end2:
_tile_overlayer_lowered:
.L_overlay_start_2:
0x62: {  	(tag) =	ssettag $0x2  }
0x63: {  	s0 =	rddreg [dreg:$0x0];
	s2 =	stileid.u32  }
0x64: {  	s1 =	rddreg [dreg:$0x1];
	p0 =	sne.s32 s2, $0x0  }
0x65: {  	s3 =	rddreg [dreg:$0x2];
	[bflag:$0x3] =	sbarrier.arrive $0xFFFF;
	s2 =	simm.s32 @!p0 $0x1C06  }
0x66: {  	[timem:s3], [sflag:s2] =	dma.local @!p0 [hbm:s0], s1  }
0x67: {  	s0 =	simm.s32 @!p0 $0x6  }
0x68: {  	_ =	swait.ge @!p0 [sflag:s0], s1  }
0x69: {  	s1 =	ssub.s32 @!p0 $0x0, s1;
	[sflag:s0] =	ssyncset.done @!p0 $0x0  }
0x6a: {  	[sflag:s0] =	ssyncadd.s32 @!p0 s1  }
0x6b: {  	[bflag:$0x3] =	sbarrier.arrive $0xFFFF  }
0x6c: {  	_ =	shalt  }

</sc_bundles>
